<compile_context>
chip_gen: v7x
topology: tpu7x:2x2x1
jax: 0.10.2.dev20260603
libtpu: 0.0.44.dev20260713+nightly
codegen_flags: <defaults>
</compile_context>

<pallas_src>
import functools

import jax
import jax.numpy as jnp
from jax import lax
from jax.experimental import pallas as pl
from jax.experimental.pallas import tpu as pltpu
from jax.experimental.pallas import tpu_sc as plsc

NC = 2
NS = 16
LANES = 16
NW = NC * NS

TABLE = 1000
D = 64
N_TOKENS = 4096 * 200
PER_W = N_TOKENS // NW
CHUNK = 512
G = 128
NG = CHUNK // G
N_CHUNKS = PER_W // CHUNK


def _split_ids(v):
    r0 = (v.astype(jnp.float32) * (1.0 / TABLE)).astype(jnp.int32)
    d0 = v - r0 * TABLE
    r = jnp.where(d0 >= TABLE, r0 + 1, jnp.where(d0 < 0, r0 - 1, r0))
    c = v - r * TABLE
    return r, c


_mesh = plsc.VectorSubcoreMesh(
    core_axis_name="c", subcore_axis_name="s", num_cores=NC, num_subcores=NS
)


@functools.partial(
    pl.kernel,
    out_type=jax.ShapeDtypeStruct((N_TOKENS, D), jnp.float32),
    mesh=_mesh,
    compiler_params=pltpu.CompilerParams(use_tc_tiling_on_sc=False),
    scratch_types=[
        pltpu.VMEM((CHUNK,), jnp.int32),
        pltpu.VMEM((NG, G), jnp.int32),
        pltpu.VMEM((NG, G), jnp.int32),
        pltpu.VMEM((CHUNK, D), jnp.float32),
        pltpu.VMEM((CHUNK, D), jnp.float32),
        pltpu.SemaphoreType.DMA,
    ],
)
def _sc_lookup(ids_hbm, row_hbm, col_hbm, out_hbm, ids_v, ridx, cidx, rows,
               cols, sem):
    wid = lax.axis_index("s") * NC + lax.axis_index("c")
    base_w = wid * PER_W

    def chunk_body(ch, carry):
        base = base_w + ch * CHUNK
        pltpu.sync_copy(ids_hbm.at[pl.ds(base, CHUNK)], ids_v)

        for j in range(NG):
            def grp(kk, c2, j=j):
                v = ids_v[pl.ds(j * G + kk * LANES, LANES)]
                r, c = _split_ids(v)
                ridx[j, pl.ds(kk * LANES, LANES)] = r
                cidx[j, pl.ds(kk * LANES, LANES)] = c
                return c2
            lax.fori_loop(0, G // LANES, grp, 0)

        copies = []
        for j in range(NG):
            copies.append(
                pltpu.async_copy(row_hbm.at[ridx.at[j]],
                                 rows.at[pl.ds(j * G, G)], sem))
            copies.append(
                pltpu.async_copy(col_hbm.at[cidx.at[j]],
                                 cols.at[pl.ds(j * G, G)], sem))
        for cp in copies:
            cp.wait()

        def add_body(i, c2):
            for dd in range(D // LANES):
                rows[i, pl.ds(dd * LANES, LANES)] = (
                    rows[i, pl.ds(dd * LANES, LANES)]
                    + cols[i, pl.ds(dd * LANES, LANES)])
            return c2
        lax.fori_loop(0, CHUNK, add_body, 0)

        pltpu.sync_copy(rows, out_hbm.at[pl.ds(base, CHUNK)])
        return carry

    lax.fori_loop(0, N_CHUNKS, chunk_body, 0)


def kernel(token_ids, row_table, col_table):
    b, h = token_ids.shape
    ids = token_ids.reshape(b * h).astype(jnp.int32)
    out = _sc_lookup(ids, row_table, col_table)
    return out.reshape(b, h, D)

# --- scband reference (transcript-rebuilt; emitter-appended) ---
"""Pipeline reference for scband-light-rnnembedding-32813550141543 (READ-ONLY COPY).

The authoritative reference and input builder live on the scoring server;
editing this copy changes nothing except your own understanding.
"""

import jax, jax.numpy as jnp
import numpy as np

TABLE_SIZE = 1000
N_EMBD = 64
BATCH = 4096
HIST = 200
VOCAB = 1000000


def setup_inputs(seed: int = 0) -> dict:
    key = jax.random.key(seed)
    k1, k2, k3 = jax.random.split(key, 3)
    token_ids = jax.random.randint(k1, (BATCH, HIST), 0, VOCAB, dtype=jnp.int64 if jax.config.jax_enable_x64 else jnp.int32)
    std = N_EMBD ** (-0.5)
    row_table = jax.random.normal(k2, (TABLE_SIZE, N_EMBD), dtype=jnp.float32) * std
    col_table = jax.random.normal(k3, (TABLE_SIZE, N_EMBD), dtype=jnp.float32) * std
    return {"token_ids": token_ids, "row_table": row_table, "col_table": col_table}


def reference(token_ids, row_table, col_table):
    # codebook.lookup: factor token id into (row, col) of the table_size x table_size grid
    row_ids = token_ids // TABLE_SIZE
    col_ids = token_ids % TABLE_SIZE
    r_emb = jnp.take(row_table, row_ids, axis=0)
    c_emb = jnp.take(col_table, col_ids, axis=0)
    return r_emb + c_emb

if __name__ == "__main__":
    import jax
    _d = setup_inputs()
    print(jax.jit(kernel)(*tuple(_d.values())))

</pallas_src>

<mosaic_0001>
#map = affine_map<(d0, d1) -> (0)>
#map1 = affine_map<(d0, d1) -> (0, 0)>
module attributes {stable_mosaic.version = 14 : i64} {
  func.func @_sc_lookup(%arg0: i32, %arg1: i32, %arg2: memref<819200xi32, #tpu.memory_space<hbm>>, %arg3: memref<1000x64xf32, #tpu.memory_space<hbm>>, %arg4: memref<1000x64xf32, #tpu.memory_space<hbm>>, %arg5: memref<819200x64xf32, #tpu.memory_space<hbm>>, %arg6: memref<512xi32, #tpu.memory_space<vmem>>, %arg7: memref<4x128xi32, #tpu.memory_space<vmem>>, %arg8: memref<4x128xi32, #tpu.memory_space<vmem>>, %arg9: memref<512x64xf32, #tpu.memory_space<vmem>>, %arg10: memref<512x64xf32, #tpu.memory_space<vmem>>, %arg11: memref<!tpu.dma_semaphore, #tpu.memory_space<semaphore_mem>>) attributes {dimension_semantics = [#tpu.dimension_semantics<core_parallel>, #tpu.dimension_semantics<subcore_parallel>], iteration_bounds = array<i64: 2, 16>, scalar_prefetch = 0 : i64, scratch_operands = 6 : i64, tpu.core_type = #tpu.core_type<sc_vector_subcore>, window_params = [{transform_indices = #map}, {transform_indices = #map1}, {transform_indices = #map1}, {transform_indices = #map1}]} {
    %mul3A = arith.constant 2 : i32
    %mul3A_0 = arith.muli %arg1, %mul3A : i32
    %add3A = arith.addi %mul3A_0, %arg0 : i32
    %mul3A_1 = arith.constant 25600 : i32
    %mul3A_2 = arith.muli %add3A, %mul3A_1 : i32
    %scan3A = arith.constant 0 : i32
    %scan3A_3 = arith.constant 0 : i32
    %scan3A_4 = arith.constant 50 : i32
    %scan3A_5 = arith.addi %scan3A_3, %scan3A_4 : i32
    %scan3A_6 = arith.constant 1 : i32
    scf.for %scan3A_8 = %scan3A_3 to %scan3A_5 step %scan3A_6  : i32 {
      %mul3A_9 = arith.constant 512 : i32
      %mul3A_10 = arith.muli %scan3A_8, %mul3A_9 : i32
      %add3A_11 = arith.addi %mul3A_2, %mul3A_10 : i32
      "tpu.region"() ({
        %run_scoped3A = tpu.sem_alloc : memref<!tpu.dma_semaphore, #tpu.memory_space<semaphore_mem>>
        %dma_start3A_200 = tpu.memref_slice %arg2[%add3A_11] : memref<819200xi32, #tpu.memory_space<hbm>> -> memref<512xi32, #tpu.memory_space<hbm>>
        %dma_start3A_201 = tpu.memref_slice %arg2[%add3A_11] : memref<819200xi32, #tpu.memory_space<hbm>> -> memref<512xi32, #tpu.memory_space<hbm>>
        tpu.enqueue_dma source(%dma_start3A_201 : memref<512xi32, #tpu.memory_space<hbm>>) target(%arg6 : memref<512xi32, #tpu.memory_space<vmem>>) target_semaphore(%run_scoped3A : memref<!tpu.dma_semaphore, #tpu.memory_space<semaphore_mem>>)
        %dma_wait3A_202 = tpu.memref_slice %arg2[%add3A_11] : memref<819200xi32, #tpu.memory_space<hbm>> -> memref<512xi32, #tpu.memory_space<hbm>>
        %dma_wait3A_203 = tpu.memref_slice %arg2[%add3A_11] : memref<819200xi32, #tpu.memory_space<hbm>> -> memref<512xi32, #tpu.memory_space<hbm>>
        tpu.wait_dma2 semaphore(%run_scoped3A : memref<!tpu.dma_semaphore, #tpu.memory_space<semaphore_mem>>) src(%dma_wait3A_203 : memref<512xi32, #tpu.memory_space<hbm>>) dst(%arg6 : memref<512xi32, #tpu.memory_space<vmem>>)
        tpu.yield
      }) : () -> ()
      %scan3A_12 = arith.constant 0 : i32
      %scan3A_13 = arith.constant 0 : i32
      %scan3A_14 = arith.constant 8 : i32
      %scan3A_15 = arith.addi %scan3A_13, %scan3A_14 : i32
      %scan3A_16 = arith.constant 1 : i32
      scf.for %scan3A_200 = %scan3A_13 to %scan3A_15 step %scan3A_16  : i32 {
        %mul3A_201 = arith.constant 16 : i32
        %mul3A_202 = arith.muli %scan3A_200, %mul3A_201 : i32
        %add3A_203 = arith.constant 0 : i32
        %add3A_204 = arith.addi %add3A_203, %mul3A_202 : i32
        %get3A = arith.index_cast %add3A_204 : i32 to index
        %get3A_205 = tpu.vector_load %arg6[%get3A] {strides = array<i32>} : memref<512xi32, #tpu.memory_space<vmem>>, vector<16xi32>,
        %get3A_206 = vector.shape_cast %get3A_205 : vector<16xi32> to vector<16xi32>
        %convert_element_type3A = arith.sitofp %get3A_206 : vector<16xi32> to vector<16xf32>
        %mul3A_207 = arith.constant 1.000000e-03 : f32
        %mul3A_208 = vector.broadcast %mul3A_207 : f32 to vector<16xf32>
        %mul3A_209 = arith.mulf %convert_element_type3A, %mul3A_208 : vector<16xf32>
        %convert_element_type3A_210 = arith.fptosi %mul3A_209 : vector<16xf32> to vector<16xi32>
        %mul3A_211 = arith.constant 1000 : i32
        %mul3A_212 = vector.broadcast %mul3A_211 : i32 to vector<16xi32>
        %mul3A_213 = arith.muli %convert_element_type3A_210, %mul3A_212 : vector<16xi32>
        %sub3A = arith.subi %get3A_206, %mul3A_213 : vector<16xi32>
        %ge3A = arith.constant 1000 : i32
        %ge3A_214 = vector.broadcast %ge3A : i32 to vector<16xi32>
        %ge3A_215 = arith.cmpi sge, %sub3A, %ge3A_214 : vector<16xi32>
        %add3A_216 = arith.constant 1 : i32
        %add3A_217 = vector.broadcast %add3A_216 : i32 to vector<16xi32>
        %add3A_218 = arith.addi %convert_element_type3A_210, %add3A_217 : vector<16xi32>
        %lt3A = arith.constant 0 : i32
        %lt3A_219 = vector.broadcast %lt3A : i32 to vector<16xi32>
        %lt3A_220 = arith.cmpi slt, %sub3A, %lt3A_219 : vector<16xi32>
        %sub3A_221 = arith.constant 1 : i32
        %sub3A_222 = vector.broadcast %sub3A_221 : i32 to vector<16xi32>
        %sub3A_223 = arith.subi %convert_element_type3A_210, %sub3A_222 : vector<16xi32>
        %select_n3A = arith.select %lt3A_220, %sub3A_223, %convert_element_type3A_210 : vector<16xi1>, vector<16xi32>
        %select_n3A_224 = arith.select %ge3A_215, %add3A_218, %select_n3A : vector<16xi1>, vector<16xi32>
        %mul3A_225 = arith.constant 1000 : i32
        %mul3A_226 = vector.broadcast %mul3A_225 : i32 to vector<16xi32>
        %mul3A_227 = arith.muli %select_n3A_224, %mul3A_226 : vector<16xi32>
        %sub3A_228 = arith.subi %get3A_206, %mul3A_227 : vector<16xi32>
        %mul3A_229 = arith.constant 16 : i32
        %mul3A_230 = arith.muli %scan3A_200, %mul3A_229 : i32
        %swap3A = arith.constant 0 : i32
        %swap3A_231 = arith.index_cast %swap3A : i32 to index
        %swap3A_232 = arith.index_cast %mul3A_230 : i32 to index
        %swap3A_233 = tpu.vector_load %arg7[%swap3A_231, %swap3A_232] {strides = array<i32>} : memref<4x128xi32, #tpu.memory_space<vmem>>, vector<1x16xi32>,
        %swap3A_234 = vector.shape_cast %swap3A_233 : vector<1x16xi32> to vector<16xi32>
        %swap3A_235 = vector.shape_cast %select_n3A_224 : vector<16xi32> to vector<1x16xi32>
        tpu.vector_store %arg7[%swap3A_231, %swap3A_232], %swap3A_235 {strides = array<i32>} : memref<4x128xi32, #tpu.memory_space<vmem>>, vector<1x16xi32>,
        %mul3A_236 = arith.constant 16 : i32
        %mul3A_237 = arith.muli %scan3A_200, %mul3A_236 : i32
        %swap3A_238 = arith.constant 0 : i32
        %swap3A_239 = arith.index_cast %swap3A_238 : i32 to index
        %swap3A_240 = arith.index_cast %mul3A_237 : i32 to index
        %swap3A_241 = tpu.vector_load %arg8[%swap3A_239, %swap3A_240] {strides = array<i32>} : memref<4x128xi32, #tpu.memory_space<vmem>>, vector<1x16xi32>,
        %swap3A_242 = vector.shape_cast %swap3A_241 : vector<1x16xi32> to vector<16xi32>
        %swap3A_243 = vector.shape_cast %sub3A_228 : vector<16xi32> to vector<1x16xi32>
        tpu.vector_store %arg8[%swap3A_239, %swap3A_240], %swap3A_243 {strides = array<i32>} : memref<4x128xi32, #tpu.memory_space<vmem>>, vector<1x16xi32>,
      }
      %scan3A_17 = arith.constant 8 : i32
      %scan3A_18 = arith.constant 0 : i32
      %scan3A_19 = arith.constant 0 : i32
      %scan3A_20 = arith.constant 8 : i32
      %scan3A_21 = arith.addi %scan3A_19, %scan3A_20 : i32
      %scan3A_22 = arith.constant 1 : i32
      scf.for %scan3A_200 = %scan3A_19 to %scan3A_21 step %scan3A_22  : i32 {
        %mul3A_201 = arith.constant 16 : i32
        %mul3A_202 = arith.muli %scan3A_200, %mul3A_201 : i32
        %add3A_203 = arith.constant 128 : i32
        %add3A_204 = arith.addi %add3A_203, %mul3A_202 : i32
        %get3A = arith.index_cast %add3A_204 : i32 to index
        %get3A_205 = tpu.vector_load %arg6[%get3A] {strides = array<i32>} : memref<512xi32, #tpu.memory_space<vmem>>, vector<16xi32>,
        %get3A_206 = vector.shape_cast %get3A_205 : vector<16xi32> to vector<16xi32>
        %convert_element_type3A = arith.sitofp %get3A_206 : vector<16xi32> to vector<16xf32>
        %mul3A_207 = arith.constant 1.000000e-03 : f32
        %mul3A_208 = vector.broadcast %mul3A_207 : f32 to vector<16xf32>
        %mul3A_209 = arith.mulf %convert_element_type3A, %mul3A_208 : vector<16xf32>
        %convert_element_type3A_210 = arith.fptosi %mul3A_209 : vector<16xf32> to vector<16xi32>
        %mul3A_211 = arith.constant 1000 : i32
        %mul3A_212 = vector.broadcast %mul3A_211 : i32 to vector<16xi32>
        %mul3A_213 = arith.muli %convert_element_type3A_210, %mul3A_212 : vector<16xi32>
        %sub3A = arith.subi %get3A_206, %mul3A_213 : vector<16xi32>
        %ge3A = arith.constant 1000 : i32
        %ge3A_214 = vector.broadcast %ge3A : i32 to vector<16xi32>
        %ge3A_215 = arith.cmpi sge, %sub3A, %ge3A_214 : vector<16xi32>
        %add3A_216 = arith.constant 1 : i32
        %add3A_217 = vector.broadcast %add3A_216 : i32 to vector<16xi32>
        %add3A_218 = arith.addi %convert_element_type3A_210, %add3A_217 : vector<16xi32>
        %lt3A = arith.constant 0 : i32
        %lt3A_219 = vector.broadcast %lt3A : i32 to vector<16xi32>
        %lt3A_220 = arith.cmpi slt, %sub3A, %lt3A_219 : vector<16xi32>
        %sub3A_221 = arith.constant 1 : i32
        %sub3A_222 = vector.broadcast %sub3A_221 : i32 to vector<16xi32>
        %sub3A_223 = arith.subi %convert_element_type3A_210, %sub3A_222 : vector<16xi32>
        %select_n3A = arith.select %lt3A_220, %sub3A_223, %convert_element_type3A_210 : vector<16xi1>, vector<16xi32>
        %select_n3A_224 = arith.select %ge3A_215, %add3A_218, %select_n3A : vector<16xi1>, vector<16xi32>
        %mul3A_225 = arith.constant 1000 : i32
        %mul3A_226 = vector.broadcast %mul3A_225 : i32 to vector<16xi32>
        %mul3A_227 = arith.muli %select_n3A_224, %mul3A_226 : vector<16xi32>
        %sub3A_228 = arith.subi %get3A_206, %mul3A_227 : vector<16xi32>
        %mul3A_229 = arith.constant 16 : i32
        %mul3A_230 = arith.muli %scan3A_200, %mul3A_229 : i32
        %swap3A = arith.constant 1 : i32
        %swap3A_231 = arith.index_cast %swap3A : i32 to index
        %swap3A_232 = arith.index_cast %mul3A_230 : i32 to index
        %swap3A_233 = tpu.vector_load %arg7[%swap3A_231, %swap3A_232] {strides = array<i32>} : memref<4x128xi32, #tpu.memory_space<vmem>>, vector<1x16xi32>,
        %swap3A_234 = vector.shape_cast %swap3A_233 : vector<1x16xi32> to vector<16xi32>
        %swap3A_235 = vector.shape_cast %select_n3A_224 : vector<16xi32> to vector<1x16xi32>
        tpu.vector_store %arg7[%swap3A_231, %swap3A_232], %swap3A_235 {strides = array<i32>} : memref<4x128xi32, #tpu.memory_space<vmem>>, vector<1x16xi32>,
        %mul3A_236 = arith.constant 16 : i32
        %mul3A_237 = arith.muli %scan3A_200, %mul3A_236 : i32
        %swap3A_238 = arith.constant 1 : i32
        %swap3A_239 = arith.index_cast %swap3A_238 : i32 to index
        %swap3A_240 = arith.index_cast %mul3A_237 : i32 to index
        %swap3A_241 = tpu.vector_load %arg8[%swap3A_239, %swap3A_240] {strides = array<i32>} : memref<4x128xi32, #tpu.memory_space<vmem>>, vector<1x16xi32>,
        %swap3A_242 = vector.shape_cast %swap3A_241 : vector<1x16xi32> to vector<16xi32>
        %swap3A_243 = vector.shape_cast %sub3A_228 : vector<16xi32> to vector<1x16xi32>
        tpu.vector_store %arg8[%swap3A_239, %swap3A_240], %swap3A_243 {strides = array<i32>} : memref<4x128xi32, #tpu.memory_space<vmem>>, vector<1x16xi32>,
      }
      %scan3A_23 = arith.constant 8 : i32
      %scan3A_24 = arith.constant 0 : i32
      %scan3A_25 = arith.constant 0 : i32
      %scan3A_26 = arith.constant 8 : i32
      %scan3A_27 = arith.addi %scan3A_25, %scan3A_26 : i32
      %scan3A_28 = arith.constant 1 : i32
      scf.for %scan3A_200 = %scan3A_25 to %scan3A_27 step %scan3A_28  : i32 {
        %mul3A_201 = arith.constant 16 : i32
        %mul3A_202 = arith.muli %scan3A_200, %mul3A_201 : i32
        %add3A_203 = arith.constant 256 : i32
        %add3A_204 = arith.addi %add3A_203, %mul3A_202 : i32
        %get3A = arith.index_cast %add3A_204 : i32 to index
        %get3A_205 = tpu.vector_load %arg6[%get3A] {strides = array<i32>} : memref<512xi32, #tpu.memory_space<vmem>>, vector<16xi32>,
        %get3A_206 = vector.shape_cast %get3A_205 : vector<16xi32> to vector<16xi32>
        %convert_element_type3A = arith.sitofp %get3A_206 : vector<16xi32> to vector<16xf32>
        %mul3A_207 = arith.constant 1.000000e-03 : f32
        %mul3A_208 = vector.broadcast %mul3A_207 : f32 to vector<16xf32>
        %mul3A_209 = arith.mulf %convert_element_type3A, %mul3A_208 : vector<16xf32>
        %convert_element_type3A_210 = arith.fptosi %mul3A_209 : vector<16xf32> to vector<16xi32>
        %mul3A_211 = arith.constant 1000 : i32
        %mul3A_212 = vector.broadcast %mul3A_211 : i32 to vector<16xi32>
        %mul3A_213 = arith.muli %convert_element_type3A_210, %mul3A_212 : vector<16xi32>
        %sub3A = arith.subi %get3A_206, %mul3A_213 : vector<16xi32>
        %ge3A = arith.constant 1000 : i32
        %ge3A_214 = vector.broadcast %ge3A : i32 to vector<16xi32>
        %ge3A_215 = arith.cmpi sge, %sub3A, %ge3A_214 : vector<16xi32>
        %add3A_216 = arith.constant 1 : i32
        %add3A_217 = vector.broadcast %add3A_216 : i32 to vector<16xi32>
        %add3A_218 = arith.addi %convert_element_type3A_210, %add3A_217 : vector<16xi32>
        %lt3A = arith.constant 0 : i32
        %lt3A_219 = vector.broadcast %lt3A : i32 to vector<16xi32>
        %lt3A_220 = arith.cmpi slt, %sub3A, %lt3A_219 : vector<16xi32>
        %sub3A_221 = arith.constant 1 : i32
        %sub3A_222 = vector.broadcast %sub3A_221 : i32 to vector<16xi32>
        %sub3A_223 = arith.subi %convert_element_type3A_210, %sub3A_222 : vector<16xi32>
        %select_n3A = arith.select %lt3A_220, %sub3A_223, %convert_element_type3A_210 : vector<16xi1>, vector<16xi32>
        %select_n3A_224 = arith.select %ge3A_215, %add3A_218, %select_n3A : vector<16xi1>, vector<16xi32>
        %mul3A_225 = arith.constant 1000 : i32
        %mul3A_226 = vector.broadcast %mul3A_225 : i32 to vector<16xi32>
        %mul3A_227 = arith.muli %select_n3A_224, %mul3A_226 : vector<16xi32>
        %sub3A_228 = arith.subi %get3A_206, %mul3A_227 : vector<16xi32>
        %mul3A_229 = arith.constant 16 : i32
        %mul3A_230 = arith.muli %scan3A_200, %mul3A_229 : i32
        %swap3A = arith.constant 2 : i32
        %swap3A_231 = arith.index_cast %swap3A : i32 to index
        %swap3A_232 = arith.index_cast %mul3A_230 : i32 to index
        %swap3A_233 = tpu.vector_load %arg7[%swap3A_231, %swap3A_232] {strides = array<i32>} : memref<4x128xi32, #tpu.memory_space<vmem>>, vector<1x16xi32>,
        %swap3A_234 = vector.shape_cast %swap3A_233 : vector<1x16xi32> to vector<16xi32>
        %swap3A_235 = vector.shape_cast %select_n3A_224 : vector<16xi32> to vector<1x16xi32>
        tpu.vector_store %arg7[%swap3A_231, %swap3A_232], %swap3A_235 {strides = array<i32>} : memref<4x128xi32, #tpu.memory_space<vmem>>, vector<1x16xi32>,
        %mul3A_236 = arith.constant 16 : i32
        %mul3A_237 = arith.muli %scan3A_200, %mul3A_236 : i32
        %swap3A_238 = arith.constant 2 : i32
        %swap3A_239 = arith.index_cast %swap3A_238 : i32 to index
        %swap3A_240 = arith.index_cast %mul3A_237 : i32 to index
        %swap3A_241 = tpu.vector_load %arg8[%swap3A_239, %swap3A_240] {strides = array<i32>} : memref<4x128xi32, #tpu.memory_space<vmem>>, vector<1x16xi32>,
        %swap3A_242 = vector.shape_cast %swap3A_241 : vector<1x16xi32> to vector<16xi32>
        %swap3A_243 = vector.shape_cast %sub3A_228 : vector<16xi32> to vector<1x16xi32>
        tpu.vector_store %arg8[%swap3A_239, %swap3A_240], %swap3A_243 {strides = array<i32>} : memref<4x128xi32, #tpu.memory_space<vmem>>, vector<1x16xi32>,
      }
      %scan3A_29 = arith.constant 8 : i32
      %scan3A_30 = arith.constant 0 : i32
      %scan3A_31 = arith.constant 0 : i32
      %scan3A_32 = arith.constant 8 : i32
      %scan3A_33 = arith.addi %scan3A_31, %scan3A_32 : i32
      %scan3A_34 = arith.constant 1 : i32
      scf.for %scan3A_200 = %scan3A_31 to %scan3A_33 step %scan3A_34  : i32 {
        %mul3A_201 = arith.constant 16 : i32
        %mul3A_202 = arith.muli %scan3A_200, %mul3A_201 : i32
        %add3A_203 = arith.constant 384 : i32
        %add3A_204 = arith.addi %add3A_203, %mul3A_202 : i32
        %get3A = arith.index_cast %add3A_204 : i32 to index
        %get3A_205 = tpu.vector_load %arg6[%get3A] {strides = array<i32>} : memref<512xi32, #tpu.memory_space<vmem>>, vector<16xi32>,
        %get3A_206 = vector.shape_cast %get3A_205 : vector<16xi32> to vector<16xi32>
        %convert_element_type3A = arith.sitofp %get3A_206 : vector<16xi32> to vector<16xf32>
        %mul3A_207 = arith.constant 1.000000e-03 : f32
        %mul3A_208 = vector.broadcast %mul3A_207 : f32 to vector<16xf32>
        %mul3A_209 = arith.mulf %convert_element_type3A, %mul3A_208 : vector<16xf32>
        %convert_element_type3A_210 = arith.fptosi %mul3A_209 : vector<16xf32> to vector<16xi32>
        %mul3A_211 = arith.constant 1000 : i32
        %mul3A_212 = vector.broadcast %mul3A_211 : i32 to vector<16xi32>
        %mul3A_213 = arith.muli %convert_element_type3A_210, %mul3A_212 : vector<16xi32>
        %sub3A = arith.subi %get3A_206, %mul3A_213 : vector<16xi32>
        %ge3A = arith.constant 1000 : i32
        %ge3A_214 = vector.broadcast %ge3A : i32 to vector<16xi32>
        %ge3A_215 = arith.cmpi sge, %sub3A, %ge3A_214 : vector<16xi32>
        %add3A_216 = arith.constant 1 : i32
        %add3A_217 = vector.broadcast %add3A_216 : i32 to vector<16xi32>
        %add3A_218 = arith.addi %convert_element_type3A_210, %add3A_217 : vector<16xi32>
        %lt3A = arith.constant 0 : i32
        %lt3A_219 = vector.broadcast %lt3A : i32 to vector<16xi32>
        %lt3A_220 = arith.cmpi slt, %sub3A, %lt3A_219 : vector<16xi32>
        %sub3A_221 = arith.constant 1 : i32
        %sub3A_222 = vector.broadcast %sub3A_221 : i32 to vector<16xi32>
        %sub3A_223 = arith.subi %convert_element_type3A_210, %sub3A_222 : vector<16xi32>
        %select_n3A = arith.select %lt3A_220, %sub3A_223, %convert_element_type3A_210 : vector<16xi1>, vector<16xi32>
        %select_n3A_224 = arith.select %ge3A_215, %add3A_218, %select_n3A : vector<16xi1>, vector<16xi32>
        %mul3A_225 = arith.constant 1000 : i32
        %mul3A_226 = vector.broadcast %mul3A_225 : i32 to vector<16xi32>
        %mul3A_227 = arith.muli %select_n3A_224, %mul3A_226 : vector<16xi32>
        %sub3A_228 = arith.subi %get3A_206, %mul3A_227 : vector<16xi32>
        %mul3A_229 = arith.constant 16 : i32
        %mul3A_230 = arith.muli %scan3A_200, %mul3A_229 : i32
        %swap3A = arith.constant 3 : i32
        %swap3A_231 = arith.index_cast %swap3A : i32 to index
        %swap3A_232 = arith.index_cast %mul3A_230 : i32 to index
        %swap3A_233 = tpu.vector_load %arg7[%swap3A_231, %swap3A_232] {strides = array<i32>} : memref<4x128xi32, #tpu.memory_space<vmem>>, vector<1x16xi32>,
        %swap3A_234 = vector.shape_cast %swap3A_233 : vector<1x16xi32> to vector<16xi32>
        %swap3A_235 = vector.shape_cast %select_n3A_224 : vector<16xi32> to vector<1x16xi32>
        tpu.vector_store %arg7[%swap3A_231, %swap3A_232], %swap3A_235 {strides = array<i32>} : memref<4x128xi32, #tpu.memory_space<vmem>>, vector<1x16xi32>,
        %mul3A_236 = arith.constant 16 : i32
        %mul3A_237 = arith.muli %scan3A_200, %mul3A_236 : i32
        %swap3A_238 = arith.constant 3 : i32
        %swap3A_239 = arith.index_cast %swap3A_238 : i32 to index
        %swap3A_240 = arith.index_cast %mul3A_237 : i32 to index
        %swap3A_241 = tpu.vector_load %arg8[%swap3A_239, %swap3A_240] {strides = array<i32>} : memref<4x128xi32, #tpu.memory_space<vmem>>, vector<1x16xi32>,
        %swap3A_242 = vector.shape_cast %swap3A_241 : vector<1x16xi32> to vector<16xi32>
        %swap3A_243 = vector.shape_cast %sub3A_228 : vector<16xi32> to vector<1x16xi32>
        tpu.vector_store %arg8[%swap3A_239, %swap3A_240], %swap3A_243 {strides = array<i32>} : memref<4x128xi32, #tpu.memory_space<vmem>>, vector<1x16xi32>,
      }
      %scan3A_35 = arith.constant 8 : i32
      %dma_start3A = arith.constant 0 : i32
      %dma_start3A_36 = arith.constant 0 : i32
      %dma_start3A_37 = arith.constant 0 : i32
      %dma_start3A_38 = tpu.memref_slice %arg9[%dma_start3A_36, %dma_start3A_37] : memref<512x64xf32, #tpu.memory_space<vmem>> -> memref<128x64xf32, #tpu.memory_space<vmem>>
      %dma_start3A_39 = arith.constant 0 : i32
      %dma_start3A_40 = tpu.memref_slice %arg7[%dma_start3A, %dma_start3A_39] : memref<4x128xi32, #tpu.memory_space<vmem>> -> memref<1x128xi32, #tpu.memory_space<vmem>>
      %dma_start3A_41 = tpu.memref_squeeze %dma_start3A_40 : memref<1x128xi32, #tpu.memory_space<vmem>> -> memref<128xi32, #tpu.memory_space<vmem>>
      %dma_start3A_42 = arith.constant 0 : i32
      %dma_start3A_43 = arith.constant 0 : i32
      %dma_start3A_44 = tpu.memref_slice %arg3[%dma_start3A_42, %dma_start3A_43] : memref<1000x64xf32, #tpu.memory_space<hbm>> -> memref<1000x64xf32, #tpu.memory_space<hbm>>
      tpu.enqueue_indirect_dma source(%dma_start3A_44 : memref<1000x64xf32, #tpu.memory_space<hbm>>) target(%dma_start3A_38 : memref<128x64xf32, #tpu.memory_space<vmem>>) offsets(%dma_start3A_41 : memref<128xi32, #tpu.memory_space<vmem>>) semaphore(%arg11 : memref<!tpu.dma_semaphore, #tpu.memory_space<semaphore_mem>>)
      %dma_start3A_45 = arith.constant 0 : i32
      %dma_start3A_46 = arith.constant 0 : i32
      %dma_start3A_47 = arith.constant 0 : i32
      %dma_start3A_48 = tpu.memref_slice %arg10[%dma_start3A_46, %dma_start3A_47] : memref<512x64xf32, #tpu.memory_space<vmem>> -> memref<128x64xf32, #tpu.memory_space<vmem>>
      %dma_start3A_49 = arith.constant 0 : i32
      %dma_start3A_50 = tpu.memref_slice %arg8[%dma_start3A_45, %dma_start3A_49] : memref<4x128xi32, #tpu.memory_space<vmem>> -> memref<1x128xi32, #tpu.memory_space<vmem>>
      %dma_start3A_51 = tpu.memref_squeeze %dma_start3A_50 : memref<1x128xi32, #tpu.memory_space<vmem>> -> memref<128xi32, #tpu.memory_space<vmem>>
      %dma_start3A_52 = arith.constant 0 : i32
      %dma_start3A_53 = arith.constant 0 : i32
      %dma_start3A_54 = tpu.memref_slice %arg4[%dma_start3A_52, %dma_start3A_53] : memref<1000x64xf32, #tpu.memory_space<hbm>> -> memref<1000x64xf32, #tpu.memory_space<hbm>>
      tpu.enqueue_indirect_dma source(%dma_start3A_54 : memref<1000x64xf32, #tpu.memory_space<hbm>>) target(%dma_start3A_48 : memref<128x64xf32, #tpu.memory_space<vmem>>) offsets(%dma_start3A_51 : memref<128xi32, #tpu.memory_space<vmem>>) semaphore(%arg11 : memref<!tpu.dma_semaphore, #tpu.memory_space<semaphore_mem>>)
      %dma_start3A_55 = arith.constant 1 : i32
      %dma_start3A_56 = arith.constant 128 : i32
      %dma_start3A_57 = arith.constant 0 : i32
      %dma_start3A_58 = tpu.memref_slice %arg9[%dma_start3A_56, %dma_start3A_57] : memref<512x64xf32, #tpu.memory_space<vmem>> -> memref<128x64xf32, #tpu.memory_space<vmem>>
      %dma_start3A_59 = arith.constant 0 : i32
      %dma_start3A_60 = tpu.memref_slice %arg7[%dma_start3A_55, %dma_start3A_59] : memref<4x128xi32, #tpu.memory_space<vmem>> -> memref<1x128xi32, #tpu.memory_space<vmem>>
      %dma_start3A_61 = tpu.memref_squeeze %dma_start3A_60 : memref<1x128xi32, #tpu.memory_space<vmem>> -> memref<128xi32, #tpu.memory_space<vmem>>
      %dma_start3A_62 = arith.constant 0 : i32
      %dma_start3A_63 = arith.constant 0 : i32
      %dma_start3A_64 = tpu.memref_slice %arg3[%dma_start3A_62, %dma_start3A_63] : memref<1000x64xf32, #tpu.memory_space<hbm>> -> memref<1000x64xf32, #tpu.memory_space<hbm>>
      tpu.enqueue_indirect_dma source(%dma_start3A_64 : memref<1000x64xf32, #tpu.memory_space<hbm>>) target(%dma_start3A_58 : memref<128x64xf32, #tpu.memory_space<vmem>>) offsets(%dma_start3A_61 : memref<128xi32, #tpu.memory_space<vmem>>) semaphore(%arg11 : memref<!tpu.dma_semaphore, #tpu.memory_space<semaphore_mem>>)
      %dma_start3A_65 = arith.constant 1 : i32
      %dma_start3A_66 = arith.constant 128 : i32
      %dma_start3A_67 = arith.constant 0 : i32
      %dma_start3A_68 = tpu.memref_slice %arg10[%dma_start3A_66, %dma_start3A_67] : memref<512x64xf32, #tpu.memory_space<vmem>> -> memref<128x64xf32, #tpu.memory_space<vmem>>
      %dma_start3A_69 = arith.constant 0 : i32
      %dma_start3A_70 = tpu.memref_slice %arg8[%dma_start3A_65, %dma_start3A_69] : memref<4x128xi32, #tpu.memory_space<vmem>> -> memref<1x128xi32, #tpu.memory_space<vmem>>
      %dma_start3A_71 = tpu.memref_squeeze %dma_start3A_70 : memref<1x128xi32, #tpu.memory_space<vmem>> -> memref<128xi32, #tpu.memory_space<vmem>>
      %dma_start3A_72 = arith.constant 0 : i32
      %dma_start3A_73 = arith.constant 0 : i32
      %dma_start3A_74 = tpu.memref_slice %arg4[%dma_start3A_72, %dma_start3A_73] : memref<1000x64xf32, #tpu.memory_space<hbm>> -> memref<1000x64xf32, #tpu.memory_space<hbm>>
      tpu.enqueue_indirect_dma source(%dma_start3A_74 : memref<1000x64xf32, #tpu.memory_space<hbm>>) target(%dma_start3A_68 : memref<128x64xf32, #tpu.memory_space<vmem>>) offsets(%dma_start3A_71 : memref<128xi32, #tpu.memory_space<vmem>>) semaphore(%arg11 : memref<!tpu.dma_semaphore, #tpu.memory_space<semaphore_mem>>)
      %dma_start3A_75 = arith.constant 2 : i32
      %dma_start3A_76 = arith.constant 256 : i32
      %dma_start3A_77 = arith.constant 0 : i32
      %dma_start3A_78 = tpu.memref_slice %arg9[%dma_start3A_76, %dma_start3A_77] : memref<512x64xf32, #tpu.memory_space<vmem>> -> memref<128x64xf32, #tpu.memory_space<vmem>>
      %dma_start3A_79 = arith.constant 0 : i32
      %dma_start3A_80 = tpu.memref_slice %arg7[%dma_start3A_75, %dma_start3A_79] : memref<4x128xi32, #tpu.memory_space<vmem>> -> memref<1x128xi32, #tpu.memory_space<vmem>>
      %dma_start3A_81 = tpu.memref_squeeze %dma_start3A_80 : memref<1x128xi32, #tpu.memory_space<vmem>> -> memref<128xi32, #tpu.memory_space<vmem>>
      %dma_start3A_82 = arith.constant 0 : i32
      %dma_start3A_83 = arith.constant 0 : i32
      %dma_start3A_84 = tpu.memref_slice %arg3[%dma_start3A_82, %dma_start3A_83] : memref<1000x64xf32, #tpu.memory_space<hbm>> -> memref<1000x64xf32, #tpu.memory_space<hbm>>
      tpu.enqueue_indirect_dma source(%dma_start3A_84 : memref<1000x64xf32, #tpu.memory_space<hbm>>) target(%dma_start3A_78 : memref<128x64xf32, #tpu.memory_space<vmem>>) offsets(%dma_start3A_81 : memref<128xi32, #tpu.memory_space<vmem>>) semaphore(%arg11 : memref<!tpu.dma_semaphore, #tpu.memory_space<semaphore_mem>>)
      %dma_start3A_85 = arith.constant 2 : i32
      %dma_start3A_86 = arith.constant 256 : i32
      %dma_start3A_87 = arith.constant 0 : i32
      %dma_start3A_88 = tpu.memref_slice %arg10[%dma_start3A_86, %dma_start3A_87] : memref<512x64xf32, #tpu.memory_space<vmem>> -> memref<128x64xf32, #tpu.memory_space<vmem>>
      %dma_start3A_89 = arith.constant 0 : i32
      %dma_start3A_90 = tpu.memref_slice %arg8[%dma_start3A_85, %dma_start3A_89] : memref<4x128xi32, #tpu.memory_space<vmem>> -> memref<1x128xi32, #tpu.memory_space<vmem>>
      %dma_start3A_91 = tpu.memref_squeeze %dma_start3A_90 : memref<1x128xi32, #tpu.memory_space<vmem>> -> memref<128xi32, #tpu.memory_space<vmem>>
      %dma_start3A_92 = arith.constant 0 : i32
      %dma_start3A_93 = arith.constant 0 : i32
      %dma_start3A_94 = tpu.memref_slice %arg4[%dma_start3A_92, %dma_start3A_93] : memref<1000x64xf32, #tpu.memory_space<hbm>> -> memref<1000x64xf32, #tpu.memory_space<hbm>>
      tpu.enqueue_indirect_dma source(%dma_start3A_94 : memref<1000x64xf32, #tpu.memory_space<hbm>>) target(%dma_start3A_88 : memref<128x64xf32, #tpu.memory_space<vmem>>) offsets(%dma_start3A_91 : memref<128xi32, #tpu.memory_space<vmem>>) semaphore(%arg11 : memref<!tpu.dma_semaphore, #tpu.memory_space<semaphore_mem>>)
      %dma_start3A_95 = arith.constant 3 : i32
      %dma_start3A_96 = arith.constant 384 : i32
      %dma_start3A_97 = arith.constant 0 : i32
      %dma_start3A_98 = tpu.memref_slice %arg9[%dma_start3A_96, %dma_start3A_97] : memref<512x64xf32, #tpu.memory_space<vmem>> -> memref<128x64xf32, #tpu.memory_space<vmem>>
      %dma_start3A_99 = arith.constant 0 : i32
      %dma_start3A_100 = tpu.memref_slice %arg7[%dma_start3A_95, %dma_start3A_99] : memref<4x128xi32, #tpu.memory_space<vmem>> -> memref<1x128xi32, #tpu.memory_space<vmem>>
      %dma_start3A_101 = tpu.memref_squeeze %dma_start3A_100 : memref<1x128xi32, #tpu.memory_space<vmem>> -> memref<128xi32, #tpu.memory_space<vmem>>
      %dma_start3A_102 = arith.constant 0 : i32
      %dma_start3A_103 = arith.constant 0 : i32
      %dma_start3A_104 = tpu.memref_slice %arg3[%dma_start3A_102, %dma_start3A_103] : memref<1000x64xf32, #tpu.memory_space<hbm>> -> memref<1000x64xf32, #tpu.memory_space<hbm>>
      tpu.enqueue_indirect_dma source(%dma_start3A_104 : memref<1000x64xf32, #tpu.memory_space<hbm>>) target(%dma_start3A_98 : memref<128x64xf32, #tpu.memory_space<vmem>>) offsets(%dma_start3A_101 : memref<128xi32, #tpu.memory_space<vmem>>) semaphore(%arg11 : memref<!tpu.dma_semaphore, #tpu.memory_space<semaphore_mem>>)
      %dma_start3A_105 = arith.constant 3 : i32
      %dma_start3A_106 = arith.constant 384 : i32
      %dma_start3A_107 = arith.constant 0 : i32
      %dma_start3A_108 = tpu.memref_slice %arg10[%dma_start3A_106, %dma_start3A_107] : memref<512x64xf32, #tpu.memory_space<vmem>> -> memref<128x64xf32, #tpu.memory_space<vmem>>
      %dma_start3A_109 = arith.constant 0 : i32
      %dma_start3A_110 = tpu.memref_slice %arg8[%dma_start3A_105, %dma_start3A_109] : memref<4x128xi32, #tpu.memory_space<vmem>> -> memref<1x128xi32, #tpu.memory_space<vmem>>
      %dma_start3A_111 = tpu.memref_squeeze %dma_start3A_110 : memref<1x128xi32, #tpu.memory_space<vmem>> -> memref<128xi32, #tpu.memory_space<vmem>>
      %dma_start3A_112 = arith.constant 0 : i32
      %dma_start3A_113 = arith.constant 0 : i32
      %dma_start3A_114 = tpu.memref_slice %arg4[%dma_start3A_112, %dma_start3A_113] : memref<1000x64xf32, #tpu.memory_space<hbm>> -> memref<1000x64xf32, #tpu.memory_space<hbm>>
      tpu.enqueue_indirect_dma source(%dma_start3A_114 : memref<1000x64xf32, #tpu.memory_space<hbm>>) target(%dma_start3A_108 : memref<128x64xf32, #tpu.memory_space<vmem>>) offsets(%dma_start3A_111 : memref<128xi32, #tpu.memory_space<vmem>>) semaphore(%arg11 : memref<!tpu.dma_semaphore, #tpu.memory_space<semaphore_mem>>)
      %dma_wait3A = arith.constant 0 : i32
      %dma_wait3A_115 = arith.constant 0 : i32
      %dma_wait3A_116 = arith.constant 0 : i32
      %dma_wait3A_117 = tpu.memref_slice %arg9[%dma_wait3A_115, %dma_wait3A_116] : memref<512x64xf32, #tpu.memory_space<vmem>> -> memref<128x64xf32, #tpu.memory_space<vmem>>
      %dma_wait3A_118 = arith.constant 0 : i32
      %dma_wait3A_119 = tpu.memref_slice %arg7[%dma_wait3A, %dma_wait3A_118] : memref<4x128xi32, #tpu.memory_space<vmem>> -> memref<1x128xi32, #tpu.memory_space<vmem>>
      %dma_wait3A_120 = tpu.memref_squeeze %dma_wait3A_119 : memref<1x128xi32, #tpu.memory_space<vmem>> -> memref<128xi32, #tpu.memory_space<vmem>>
      %dma_wait3A_121 = arith.constant 0 : i32
      %dma_wait3A_122 = arith.constant 0 : i32
      %dma_wait3A_123 = tpu.memref_slice %arg3[%dma_wait3A_121, %dma_wait3A_122] : memref<1000x64xf32, #tpu.memory_space<hbm>> -> memref<1000x64xf32, #tpu.memory_space<hbm>>
      tpu.wait_indirect_dma semaphore(%arg11 : memref<!tpu.dma_semaphore, #tpu.memory_space<semaphore_mem>>) src(%dma_wait3A_123 : memref<1000x64xf32, #tpu.memory_space<hbm>>) dst(%dma_wait3A_117 : memref<128x64xf32, #tpu.memory_space<vmem>>)
      %dma_wait3A_124 = arith.constant 0 : i32
      %dma_wait3A_125 = arith.constant 0 : i32
      %dma_wait3A_126 = arith.constant 0 : i32
      %dma_wait3A_127 = tpu.memref_slice %arg10[%dma_wait3A_125, %dma_wait3A_126] : memref<512x64xf32, #tpu.memory_space<vmem>> -> memref<128x64xf32, #tpu.memory_space<vmem>>
      %dma_wait3A_128 = arith.constant 0 : i32
      %dma_wait3A_129 = tpu.memref_slice %arg8[%dma_wait3A_124, %dma_wait3A_128] : memref<4x128xi32, #tpu.memory_space<vmem>> -> memref<1x128xi32, #tpu.memory_space<vmem>>
      %dma_wait3A_130 = tpu.memref_squeeze %dma_wait3A_129 : memref<1x128xi32, #tpu.memory_space<vmem>> -> memref<128xi32, #tpu.memory_space<vmem>>
      %dma_wait3A_131 = arith.constant 0 : i32
      %dma_wait3A_132 = arith.constant 0 : i32
      %dma_wait3A_133 = tpu.memref_slice %arg4[%dma_wait3A_131, %dma_wait3A_132] : memref<1000x64xf32, #tpu.memory_space<hbm>> -> memref<1000x64xf32, #tpu.memory_space<hbm>>
      tpu.wait_indirect_dma semaphore(%arg11 : memref<!tpu.dma_semaphore, #tpu.memory_space<semaphore_mem>>) src(%dma_wait3A_133 : memref<1000x64xf32, #tpu.memory_space<hbm>>) dst(%dma_wait3A_127 : memref<128x64xf32, #tpu.memory_space<vmem>>)
      %dma_wait3A_134 = arith.constant 1 : i32
      %dma_wait3A_135 = arith.constant 128 : i32
      %dma_wait3A_136 = arith.constant 0 : i32
      %dma_wait3A_137 = tpu.memref_slice %arg9[%dma_wait3A_135, %dma_wait3A_136] : memref<512x64xf32, #tpu.memory_space<vmem>> -> memref<128x64xf32, #tpu.memory_space<vmem>>
      %dma_wait3A_138 = arith.constant 0 : i32
      %dma_wait3A_139 = tpu.memref_slice %arg7[%dma_wait3A_134, %dma_wait3A_138] : memref<4x128xi32, #tpu.memory_space<vmem>> -> memref<1x128xi32, #tpu.memory_space<vmem>>
      %dma_wait3A_140 = tpu.memref_squeeze %dma_wait3A_139 : memref<1x128xi32, #tpu.memory_space<vmem>> -> memref<128xi32, #tpu.memory_space<vmem>>
      %dma_wait3A_141 = arith.constant 0 : i32
      %dma_wait3A_142 = arith.constant 0 : i32
      %dma_wait3A_143 = tpu.memref_slice %arg3[%dma_wait3A_141, %dma_wait3A_142] : memref<1000x64xf32, #tpu.memory_space<hbm>> -> memref<1000x64xf32, #tpu.memory_space<hbm>>
      tpu.wait_indirect_dma semaphore(%arg11 : memref<!tpu.dma_semaphore, #tpu.memory_space<semaphore_mem>>) src(%dma_wait3A_143 : memref<1000x64xf32, #tpu.memory_space<hbm>>) dst(%dma_wait3A_137 : memref<128x64xf32, #tpu.memory_space<vmem>>)
      %dma_wait3A_144 = arith.constant 1 : i32
      %dma_wait3A_145 = arith.constant 128 : i32
      %dma_wait3A_146 = arith.constant 0 : i32
      %dma_wait3A_147 = tpu.memref_slice %arg10[%dma_wait3A_145, %dma_wait3A_146] : memref<512x64xf32, #tpu.memory_space<vmem>> -> memref<128x64xf32, #tpu.memory_space<vmem>>
      %dma_wait3A_148 = arith.constant 0 : i32
      %dma_wait3A_149 = tpu.memref_slice %arg8[%dma_wait3A_144, %dma_wait3A_148] : memref<4x128xi32, #tpu.memory_space<vmem>> -> memref<1x128xi32, #tpu.memory_space<vmem>>
      %dma_wait3A_150 = tpu.memref_squeeze %dma_wait3A_149 : memref<1x128xi32, #tpu.memory_space<vmem>> -> memref<128xi32, #tpu.memory_space<vmem>>
      %dma_wait3A_151 = arith.constant 0 : i32
      %dma_wait3A_152 = arith.constant 0 : i32
      %dma_wait3A_153 = tpu.memref_slice %arg4[%dma_wait3A_151, %dma_wait3A_152] : memref<1000x64xf32, #tpu.memory_space<hbm>> -> memref<1000x64xf32, #tpu.memory_space<hbm>>
      tpu.wait_indirect_dma semaphore(%arg11 : memref<!tpu.dma_semaphore, #tpu.memory_space<semaphore_mem>>) src(%dma_wait3A_153 : memref<1000x64xf32, #tpu.memory_space<hbm>>) dst(%dma_wait3A_147 : memref<128x64xf32, #tpu.memory_space<vmem>>)
      %dma_wait3A_154 = arith.constant 2 : i32
      %dma_wait3A_155 = arith.constant 256 : i32
      %dma_wait3A_156 = arith.constant 0 : i32
      %dma_wait3A_157 = tpu.memref_slice %arg9[%dma_wait3A_155, %dma_wait3A_156] : memref<512x64xf32, #tpu.memory_space<vmem>> -> memref<128x64xf32, #tpu.memory_space<vmem>>
      %dma_wait3A_158 = arith.constant 0 : i32
      %dma_wait3A_159 = tpu.memref_slice %arg7[%dma_wait3A_154, %dma_wait3A_158] : memref<4x128xi32, #tpu.memory_space<vmem>> -> memref<1x128xi32, #tpu.memory_space<vmem>>
      %dma_wait3A_160 = tpu.memref_squeeze %dma_wait3A_159 : memref<1x128xi32, #tpu.memory_space<vmem>> -> memref<128xi32, #tpu.memory_space<vmem>>
      %dma_wait3A_161 = arith.constant 0 : i32
      %dma_wait3A_162 = arith.constant 0 : i32
      %dma_wait3A_163 = tpu.memref_slice %arg3[%dma_wait3A_161, %dma_wait3A_162] : memref<1000x64xf32, #tpu.memory_space<hbm>> -> memref<1000x64xf32, #tpu.memory_space<hbm>>
      tpu.wait_indirect_dma semaphore(%arg11 : memref<!tpu.dma_semaphore, #tpu.memory_space<semaphore_mem>>) src(%dma_wait3A_163 : memref<1000x64xf32, #tpu.memory_space<hbm>>) dst(%dma_wait3A_157 : memref<128x64xf32, #tpu.memory_space<vmem>>)
      %dma_wait3A_164 = arith.constant 2 : i32
      %dma_wait3A_165 = arith.constant 256 : i32
      %dma_wait3A_166 = arith.constant 0 : i32
      %dma_wait3A_167 = tpu.memref_slice %arg10[%dma_wait3A_165, %dma_wait3A_166] : memref<512x64xf32, #tpu.memory_space<vmem>> -> memref<128x64xf32, #tpu.memory_space<vmem>>
      %dma_wait3A_168 = arith.constant 0 : i32
      %dma_wait3A_169 = tpu.memref_slice %arg8[%dma_wait3A_164, %dma_wait3A_168] : memref<4x128xi32, #tpu.memory_space<vmem>> -> memref<1x128xi32, #tpu.memory_space<vmem>>
      %dma_wait3A_170 = tpu.memref_squeeze %dma_wait3A_169 : memref<1x128xi32, #tpu.memory_space<vmem>> -> memref<128xi32, #tpu.memory_space<vmem>>
      %dma_wait3A_171 = arith.constant 0 : i32
      %dma_wait3A_172 = arith.constant 0 : i32
      %dma_wait3A_173 = tpu.memref_slice %arg4[%dma_wait3A_171, %dma_wait3A_172] : memref<1000x64xf32, #tpu.memory_space<hbm>> -> memref<1000x64xf32, #tpu.memory_space<hbm>>
      tpu.wait_indirect_dma semaphore(%arg11 : memref<!tpu.dma_semaphore, #tpu.memory_space<semaphore_mem>>) src(%dma_wait3A_173 : memref<1000x64xf32, #tpu.memory_space<hbm>>) dst(%dma_wait3A_167 : memref<128x64xf32, #tpu.memory_space<vmem>>)
      %dma_wait3A_174 = arith.constant 3 : i32
      %dma_wait3A_175 = arith.constant 384 : i32
      %dma_wait3A_176 = arith.constant 0 : i32
      %dma_wait3A_177 = tpu.memref_slice %arg9[%dma_wait3A_175, %dma_wait3A_176] : memref<512x64xf32, #tpu.memory_space<vmem>> -> memref<128x64xf32, #tpu.memory_space<vmem>>
      %dma_wait3A_178 = arith.constant 0 : i32
      %dma_wait3A_179 = tpu.memref_slice %arg7[%dma_wait3A_174, %dma_wait3A_178] : memref<4x128xi32, #tpu.memory_space<vmem>> -> memref<1x128xi32, #tpu.memory_space<vmem>>
      %dma_wait3A_180 = tpu.memref_squeeze %dma_wait3A_179 : memref<1x128xi32, #tpu.memory_space<vmem>> -> memref<128xi32, #tpu.memory_space<vmem>>
      %dma_wait3A_181 = arith.constant 0 : i32
      %dma_wait3A_182 = arith.constant 0 : i32
      %dma_wait3A_183 = tpu.memref_slice %arg3[%dma_wait3A_181, %dma_wait3A_182] : memref<1000x64xf32, #tpu.memory_space<hbm>> -> memref<1000x64xf32, #tpu.memory_space<hbm>>
      tpu.wait_indirect_dma semaphore(%arg11 : memref<!tpu.dma_semaphore, #tpu.memory_space<semaphore_mem>>) src(%dma_wait3A_183 : memref<1000x64xf32, #tpu.memory_space<hbm>>) dst(%dma_wait3A_177 : memref<128x64xf32, #tpu.memory_space<vmem>>)
      %dma_wait3A_184 = arith.constant 3 : i32
      %dma_wait3A_185 = arith.constant 384 : i32
      %dma_wait3A_186 = arith.constant 0 : i32
      %dma_wait3A_187 = tpu.memref_slice %arg10[%dma_wait3A_185, %dma_wait3A_186] : memref<512x64xf32, #tpu.memory_space<vmem>> -> memref<128x64xf32, #tpu.memory_space<vmem>>
      %dma_wait3A_188 = arith.constant 0 : i32
      %dma_wait3A_189 = tpu.memref_slice %arg8[%dma_wait3A_184, %dma_wait3A_188] : memref<4x128xi32, #tpu.memory_space<vmem>> -> memref<1x128xi32, #tpu.memory_space<vmem>>
      %dma_wait3A_190 = tpu.memref_squeeze %dma_wait3A_189 : memref<1x128xi32, #tpu.memory_space<vmem>> -> memref<128xi32, #tpu.memory_space<vmem>>
      %dma_wait3A_191 = arith.constant 0 : i32
      %dma_wait3A_192 = arith.constant 0 : i32
      %dma_wait3A_193 = tpu.memref_slice %arg4[%dma_wait3A_191, %dma_wait3A_192] : memref<1000x64xf32, #tpu.memory_space<hbm>> -> memref<1000x64xf32, #tpu.memory_space<hbm>>
      tpu.wait_indirect_dma semaphore(%arg11 : memref<!tpu.dma_semaphore, #tpu.memory_space<semaphore_mem>>) src(%dma_wait3A_193 : memref<1000x64xf32, #tpu.memory_space<hbm>>) dst(%dma_wait3A_187 : memref<128x64xf32, #tpu.memory_space<vmem>>)
      %scan3A_194 = arith.constant 0 : i32
      %scan3A_195 = arith.constant 0 : i32
      %scan3A_196 = arith.constant 512 : i32
      %scan3A_197 = arith.addi %scan3A_195, %scan3A_196 : i32
      %scan3A_198 = arith.constant 1 : i32
      scf.for %scan3A_200 = %scan3A_195 to %scan3A_197 step %scan3A_198  : i32 {
        %get3A = arith.index_cast %scan3A_200 : i32 to index
        %get3A_201 = arith.constant 0 : index
        %get3A_202 = tpu.vector_load %arg9[%get3A, %get3A_201] {strides = array<i32>} : memref<512x64xf32, #tpu.memory_space<vmem>>, vector<1x16xf32>,
        %get3A_203 = vector.shape_cast %get3A_202 : vector<1x16xf32> to vector<16xf32>
        %get3A_204 = arith.index_cast %scan3A_200 : i32 to index
        %get3A_205 = arith.constant 0 : index
        %get3A_206 = tpu.vector_load %arg10[%get3A_204, %get3A_205] {strides = array<i32>} : memref<512x64xf32, #tpu.memory_space<vmem>>, vector<1x16xf32>,
        %get3A_207 = vector.shape_cast %get3A_206 : vector<1x16xf32> to vector<16xf32>
        %add3A_208 = arith.addf %get3A_203, %get3A_207 : vector<16xf32>
        %swap3A = arith.index_cast %scan3A_200 : i32 to index
        %swap3A_209 = arith.constant 0 : index
        %swap3A_210 = tpu.vector_load %arg9[%swap3A, %swap3A_209] {strides = array<i32>} : memref<512x64xf32, #tpu.memory_space<vmem>>, vector<1x16xf32>,
        %swap3A_211 = vector.shape_cast %swap3A_210 : vector<1x16xf32> to vector<16xf32>
        %swap3A_212 = vector.shape_cast %add3A_208 : vector<16xf32> to vector<1x16xf32>
        tpu.vector_store %arg9[%swap3A, %swap3A_209], %swap3A_212 {strides = array<i32>} : memref<512x64xf32, #tpu.memory_space<vmem>>, vector<1x16xf32>,
        %get3A_213 = arith.index_cast %scan3A_200 : i32 to index
        %get3A_214 = arith.constant 16 : index
        %get3A_215 = tpu.vector_load %arg9[%get3A_213, %get3A_214] {strides = array<i32>} : memref<512x64xf32, #tpu.memory_space<vmem>>, vector<1x16xf32>,
        %get3A_216 = vector.shape_cast %get3A_215 : vector<1x16xf32> to vector<16xf32>
        %get3A_217 = arith.index_cast %scan3A_200 : i32 to index
        %get3A_218 = arith.constant 16 : index
        %get3A_219 = tpu.vector_load %arg10[%get3A_217, %get3A_218] {strides = array<i32>} : memref<512x64xf32, #tpu.memory_space<vmem>>, vector<1x16xf32>,
        %get3A_220 = vector.shape_cast %get3A_219 : vector<1x16xf32> to vector<16xf32>
        %add3A_221 = arith.addf %get3A_216, %get3A_220 : vector<16xf32>
        %swap3A_222 = arith.index_cast %scan3A_200 : i32 to index
        %swap3A_223 = arith.constant 16 : index
        %swap3A_224 = tpu.vector_load %arg9[%swap3A_222, %swap3A_223] {strides = array<i32>} : memref<512x64xf32, #tpu.memory_space<vmem>>, vector<1x16xf32>,
        %swap3A_225 = vector.shape_cast %swap3A_224 : vector<1x16xf32> to vector<16xf32>
        %swap3A_226 = vector.shape_cast %add3A_221 : vector<16xf32> to vector<1x16xf32>
        tpu.vector_store %arg9[%swap3A_222, %swap3A_223], %swap3A_226 {strides = array<i32>} : memref<512x64xf32, #tpu.memory_space<vmem>>, vector<1x16xf32>,
        %get3A_227 = arith.index_cast %scan3A_200 : i32 to index
        %get3A_228 = arith.constant 32 : index
        %get3A_229 = tpu.vector_load %arg9[%get3A_227, %get3A_228] {strides = array<i32>} : memref<512x64xf32, #tpu.memory_space<vmem>>, vector<1x16xf32>,
        %get3A_230 = vector.shape_cast %get3A_229 : vector<1x16xf32> to vector<16xf32>
        %get3A_231 = arith.index_cast %scan3A_200 : i32 to index
        %get3A_232 = arith.constant 32 : index
        %get3A_233 = tpu.vector_load %arg10[%get3A_231, %get3A_232] {strides = array<i32>} : memref<512x64xf32, #tpu.memory_space<vmem>>, vector<1x16xf32>,
        %get3A_234 = vector.shape_cast %get3A_233 : vector<1x16xf32> to vector<16xf32>
        %add3A_235 = arith.addf %get3A_230, %get3A_234 : vector<16xf32>
        %swap3A_236 = arith.index_cast %scan3A_200 : i32 to index
        %swap3A_237 = arith.constant 32 : index
        %swap3A_238 = tpu.vector_load %arg9[%swap3A_236, %swap3A_237] {strides = array<i32>} : memref<512x64xf32, #tpu.memory_space<vmem>>, vector<1x16xf32>,
        %swap3A_239 = vector.shape_cast %swap3A_238 : vector<1x16xf32> to vector<16xf32>
        %swap3A_240 = vector.shape_cast %add3A_235 : vector<16xf32> to vector<1x16xf32>
        tpu.vector_store %arg9[%swap3A_236, %swap3A_237], %swap3A_240 {strides = array<i32>} : memref<512x64xf32, #tpu.memory_space<vmem>>, vector<1x16xf32>,
        %get3A_241 = arith.index_cast %scan3A_200 : i32 to index
        %get3A_242 = arith.constant 48 : index
        %get3A_243 = tpu.vector_load %arg9[%get3A_241, %get3A_242] {strides = array<i32>} : memref<512x64xf32, #tpu.memory_space<vmem>>, vector<1x16xf32>,
        %get3A_244 = vector.shape_cast %get3A_243 : vector<1x16xf32> to vector<16xf32>
        %get3A_245 = arith.index_cast %scan3A_200 : i32 to index
        %get3A_246 = arith.constant 48 : index
        %get3A_247 = tpu.vector_load %arg10[%get3A_245, %get3A_246] {strides = array<i32>} : memref<512x64xf32, #tpu.memory_space<vmem>>, vector<1x16xf32>,
        %get3A_248 = vector.shape_cast %get3A_247 : vector<1x16xf32> to vector<16xf32>
        %add3A_249 = arith.addf %get3A_244, %get3A_248 : vector<16xf32>
        %swap3A_250 = arith.index_cast %scan3A_200 : i32 to index
        %swap3A_251 = arith.constant 48 : index
        %swap3A_252 = tpu.vector_load %arg9[%swap3A_250, %swap3A_251] {strides = array<i32>} : memref<512x64xf32, #tpu.memory_space<vmem>>, vector<1x16xf32>,
        %swap3A_253 = vector.shape_cast %swap3A_252 : vector<1x16xf32> to vector<16xf32>
        %swap3A_254 = vector.shape_cast %add3A_249 : vector<16xf32> to vector<1x16xf32>
        tpu.vector_store %arg9[%swap3A_250, %swap3A_251], %swap3A_254 {strides = array<i32>} : memref<512x64xf32, #tpu.memory_space<vmem>>, vector<1x16xf32>,
      }
      %scan3A_199 = arith.constant 512 : i32
      "tpu.region"() ({
        %run_scoped3A = tpu.sem_alloc : memref<!tpu.dma_semaphore, #tpu.memory_space<semaphore_mem>>
        %dma_start3A_200 = arith.constant 0 : i32
        %dma_start3A_201 = tpu.memref_slice %arg5[%add3A_11, %dma_start3A_200] : memref<819200x64xf32, #tpu.memory_space<hbm>> -> memref<512x64xf32, #tpu.memory_space<hbm>>
        %dma_start3A_202 = arith.constant 0 : i32
        %dma_start3A_203 = tpu.memref_slice %arg5[%add3A_11, %dma_start3A_202] : memref<819200x64xf32, #tpu.memory_space<hbm>> -> memref<512x64xf32, #tpu.memory_space<hbm>>
        tpu.enqueue_dma source(%arg9 : memref<512x64xf32, #tpu.memory_space<vmem>>) target(%dma_start3A_203 : memref<512x64xf32, #tpu.memory_space<hbm>>) target_semaphore(%run_scoped3A : memref<!tpu.dma_semaphore, #tpu.memory_space<semaphore_mem>>)
        %dma_wait3A_204 = arith.constant 0 : i32
        %dma_wait3A_205 = tpu.memref_slice %arg5[%add3A_11, %dma_wait3A_204] : memref<819200x64xf32, #tpu.memory_space<hbm>> -> memref<512x64xf32, #tpu.memory_space<hbm>>
        %dma_wait3A_206 = arith.constant 0 : i32
        %dma_wait3A_207 = tpu.memref_slice %arg5[%add3A_11, %dma_wait3A_206] : memref<819200x64xf32, #tpu.memory_space<hbm>> -> memref<512x64xf32, #tpu.memory_space<hbm>>
        tpu.wait_dma2 semaphore(%run_scoped3A : memref<!tpu.dma_semaphore, #tpu.memory_space<semaphore_mem>>) src(%arg9 : memref<512x64xf32, #tpu.memory_space<vmem>>) dst(%dma_wait3A_207 : memref<512x64xf32, #tpu.memory_space<hbm>>)
        tpu.yield
      }) : () -> ()
    }
    %scan3A_7 = arith.constant 50 : i32
    return
  }
}

</mosaic_0001>

<sc_bundles>
// kernel: kernel.3.cloned.1.call-start
scs
__scs_entry_jumppad:
0x0: {  	(pc) =	sbr.rel $0x88, $3  }
0x1: {  	(tag) =	ssettag $0x0;
	lr =	simm.s32 $0x1  }
0x2: {  	[smem:$0x3F9E] =	sst lr;
	_ =	strace $0xD0000000  }
0x3: {  	_ = 	snop  }
0x4: {  	_ = 	snop  }
0x5: {  	_ = 	snop  }
0x6: {  	_ = 	snop  }
0x7: {  	_ = 	snop  }
__scs_overlays_trampoline_lowered:
0x8: {  	[smem:$0x3FAD] =	sst s0  }
0x9: {  	[smem:$0x3FAE] =	sst s1  }
0xa: {  	[smem:$0x3FAF] =	sst s2  }
0xb: {  	[smem:$0x3FB0] =	sst s3  }
0xc: {  	[smem:$0x3FB1] =	sst s4  }
0xd: {  	[smem:$0x3FB2] =	sst s5  }
0xe: {  	[smem:$0x3FB3] =	sst s6  }
0xf: {  	[smem:$0x3FB4] =	sst s7  }
0x10: {  	[smem:$0x3FB5] =	sst s8  }
0x11: {  	[smem:$0x3FB6] =	sst s9;
	s0 =	simm.s32 @!p0 $0x0  }
0x12: {  	s1 =	sld [smem:$0x3F9C];
	s0 =	simm.s32 @p0 $0x1  }
0x13: {  	[smem:$0x3FB7] =	sst s0;
	s0 =	simm.s32 @!p1 $0x0  }
0x14: {  	s2 =	sld [smem:$0x3F9B];
	s0 =	simm.s32 @p1 $0x1  }
0x15: {  	[smem:$0x3FB8] =	sst s0;
	s0 =	simm.s32 @!p2 $0x0  }
0x16: {  	s3 =	sld [smem:$0x3FDB];
	s0 =	simm.s32 @p2 $0x1  }
0x17: {  	s4 =	simm.s32 $0x1BF5;
	[smem:$0x3FBA] =	sst s0  }
0x18: {  	s0 =	sld [smem:$0x3F9D];
	_ =	swait.ge [sflag:s4], $0x0  }
0x19: {  	s7 =	sld [smem:$0x3F9E]  }
0x1a: {  	s8 =	sadd.s32 $0xFFFFE003, lr  }
0x1b: {  	s9 =	sadd.s32 $0xFFFFFEF7, lr;
	s5 =	simm.s32 $0xFFFFFFFF;
	p2 =	slt.u32 s8, $0xFFFFF086  }
0x1c: {  	p1 =	slt.u32 s9, $0xF7A;
	s5 =	simm.s32 @!p2 $0x0  }
0x1d: {  	s5 =	simm.s32 @p1 $0x1;
	p0 =	seq.s32 s7, s2  }
0x1e: {  	s7 =	smul.u32 @!p0 $0xF7A, s2;
	p2 =	seq.s32 @!p0 s5, $0x0  }
0x1f: {  	s9 =	smul.u32 $0xF7A, s1;
	s8 =	simm.s32 @!p0 $0x1BF5;
	p2 =	por !p2, p0  }
0x20: {  	[sflag:s8] =	ssyncset.s32 @!p0 $0xFFFFF086;
	s6 =	sadd.s32 @!p0 s3, s7;
	s7 =	simm.s32 @!p0 $0x108  }
0x21: {  	s3 =	sadd.s32 s3, s9;
	s6 =	sadd.s32 @!p0 $0x88, s6;
	s7 =	simm.s32 @p2 $0x1082  }
0x22: {  	[simem:s7], [sflag:s8] =	dma.local @!p0 [hbm:s6], $0xF7A  }
0x23: {  	s9 =	sor.u32 $0xD0000000, s2;
	s6 =	simm.s32 $0x108;
	_ =	swait.ge @!p0 [sflag:s8], $0x0  }
0x24: {  	s3 =	sadd.s32 $0x88, s3;
	s6 =	simm.s32 @!p1 $0x1082;
	[sflag:s4] =	ssyncset.s32 $0xFFFFF086  }
0x25: {  	[simem:s6], [sflag:s4] =	dma.local [hbm:s3], $0xF7A  }
0x26: {  	[smem:$0x3F9E] =	sst s1;
	(tag) =	ssettag s2;
	_ =	strace s9  }
0x27: {  	s1 =	sld [smem:$0x3FAE]  }
0x28: {  	s2 =	sld [smem:$0x3FAF]  }
0x29: {  	s4 =	sld [smem:$0x3FB1]  }
0x2a: {  	p0 =	seq.s32 s5, $0x0;
	s5 =	sld [smem:$0x3FB2]  }
0x2b: {  	s6 =	sld [smem:$0x3FB3]  }
0x2c: {  	s7 =	sld [smem:$0x3FB4]  }
0x2d: {  	s3 =	simm.s32 $0x108;
	s8 =	sld [smem:$0x3FB5]  }
0x2e: {  	s3 =	simm.s32 @!p0 $0x1082;
	s9 =	sld [smem:$0x3FB6]  }
0x2f: {  	lr =	sadd.s32 s0, s3;
	s0 =	sld [smem:$0x3FAD]  }
0x30: {  	s3 =	sld [smem:$0x3FB0]  }
0x31: {  	[smem:$0x3FB9] =	sst s10  }
0x32: {  	s10 =	sld [smem:$0x3FB7];
	_ =	sdelay $0x3  }
0x33: {  	p0 =	seq.s32 s10, $0x1;
	s10 =	sld [smem:$0x3FB9];
	_ =	sdelay $0x3  }
0x34: {  	[smem:$0x3FB9] =	sst s10  }
0x35: {  	s10 =	sld [smem:$0x3FB8];
	_ =	sdelay $0x3  }
0x36: {  	p1 =	seq.s32 s10, $0x1;
	s10 =	sld [smem:$0x3FB9];
	_ =	sdelay $0x3  }
0x37: {  	[smem:$0x3FB9] =	sst s10  }
0x38: {  	s10 =	sld [smem:$0x3FBA]  }
0x39: {  	_ = 	snop;
	(pc) =	sbr.ind lr, $3  }
0x3a: {  	_ = 	snop  }
0x3b: {  	_ = 	snop  }
0x3c: {  	p2 =	seq.s32 s10, $0x1;
	s10 =	sld [smem:$0x3FB9]  }
0x3d: {  	_ =	shalt  }
0x3e: {  	_ =	shalt  }
0x3f: {  	_ =	shalt  }
0x40: {  	_ =	shalt  }
0x41: {  	_ =	shalt  }
0x42: {  	_ =	shalt  }
0x43: {  	_ =	shalt  }
0x44: {  	_ =	shalt  }
0x45: {  	_ =	shalt  }
0x46: {  	_ =	shalt  }
0x47: {  	_ =	shalt  }
0x48: {  	_ =	shalt  }
0x49: {  	_ =	shalt  }
0x4a: {  	_ =	shalt  }
0x4b: {  	_ =	shalt  }
0x4c: {  	_ =	shalt  }
0x4d: {  	_ =	shalt  }
0x4e: {  	_ =	shalt  }
0x4f: {  	_ =	shalt  }
0x50: {  	_ =	shalt  }
0x51: {  	_ =	shalt  }
0x52: {  	_ =	shalt  }
0x53: {  	_ =	shalt  }
0x54: {  	_ =	shalt  }
0x55: {  	_ =	shalt  }
0x56: {  	_ =	shalt  }
0x57: {  	_ =	shalt  }
0x58: {  	_ =	shalt  }
0x59: {  	_ =	shalt  }
0x5a: {  	_ =	shalt  }
0x5b: {  	_ =	shalt  }
0x5c: {  	_ =	shalt  }
0x5d: {  	_ =	shalt  }
0x5e: {  	_ =	shalt  }
0x5f: {  	_ =	shalt  }
0x60: {  	_ =	shalt  }
0x61: {  	_ =	shalt  }
0x62: {  	_ =	shalt  }
0x63: {  	_ =	shalt  }
0x64: {  	_ =	shalt  }
0x65: {  	_ =	shalt  }
0x66: {  	_ =	shalt  }
0x67: {  	_ =	shalt  }
0x68: {  	_ =	shalt  }
0x69: {  	_ =	shalt  }
0x6a: {  	_ =	shalt  }
0x6b: {  	_ =	shalt  }
0x6c: {  	_ =	shalt  }
0x6d: {  	_ =	shalt  }
0x6e: {  	_ =	shalt  }
0x6f: {  	_ =	shalt  }
0x70: {  	_ =	shalt  }
0x71: {  	_ =	shalt  }
0x72: {  	_ =	shalt  }
0x73: {  	_ =	shalt  }
0x74: {  	_ =	shalt  }
0x75: {  	_ =	shalt  }
0x76: {  	_ =	shalt  }
0x77: {  	_ =	shalt  }
0x78: {  	_ =	shalt  }
0x79: {  	_ =	shalt  }
0x7a: {  	_ =	shalt  }
0x7b: {  	_ =	shalt  }
0x7c: {  	_ =	shalt  }
0x7d: {  	_ =	shalt  }
0x7e: {  	_ =	shalt  }
0x7f: {  	_ =	shalt  }
0x80: {  	_ =	shalt  }
0x81: {  	_ =	shalt  }
0x82: {  	_ =	shalt  }
0x83: {  	_ =	shalt  }
0x84: {  	_ =	shalt  }
0x85: {  	_ =	shalt  }
0x86: {  	_ =	shalt  }
0x87: {  	_ =	shalt  }
.Lfunc_end0:
.L_simem_size_0:
called_computation.1_lowered:
.L_overlay_start_0:
0x88: {  	s2 =	sld [smem:$0x3FD9]  }
0x89: {  	s3 =	sld [smem:$0x3FFE];
	_ =	sdelay $0x1  }
0x8a: {  	s1 =	srdreg.scid  }
0x8b: {  	s0 =	sand.u32 $0x1, s1  }
0x8c: {  	s17 =	sshll.u32 s0, $0xA;
	s2 =	sadd.s32 s3, s2  }
0x8d: {  	s2 =	sadd.s32 s2, s17  }
0x8e: {  	[smem:$0x3FC5] =	sst s2  }
0x8f: {  	_ = 	snop  }
0x90: {  	s2 =	sld [smem:$0x3FD0];
	(tm) =	ssettm $0x1  }
0x91: {  	s18 =	sld [smem:$0x3FFB];
	_ =	sdelay $0x3  }
0x92: {  	_ =	strace s18  }
0x93: {  	s3 =	sld [smem:$0x3FFC];
	_ =	sdelay $0x3  }
0x94: {  	_ =	strace s3  }
0x95: {  	s3 =	sld [smem:$0x3FFD];
	_ =	sdelay $0x3  }
0x96: {  	_ =	strace s3  }
0x97: {  	_ =	strace $0x8FFFFFFF  }
0x98: {  	s19 =	sld [smem:$0x3FDB];
	_ =	sdelay $0x1  }
0x99: {  	s4 =	simm.s32 $_scs_section_size  }
0x9a: {  	s5 =	simm.s32 $_size__tile_overlayer_lowered;
	s6 =	simm.s32 $_tile_overlayer_lowered  }
0x9b: {  	s22 =	simm.s32 $0x1BFF;
	s21 =	sshll.u32 s6, $0x1;
	s3 =	sadd.s32 s4, s19  }
0x9c: {  	s7 =	simm.s32 $0x0;
	s20 =	sshll.u32 s5, $0x1;
	s5 =	sadd.s32 s21, s3  }
0x9d: {  	[timem:s7], [sflag:s22] =	dma.local [hbm:s5], s20  }
0x9e: {  	_ =	swait.ge [sflag:s22], s20  }
0x9f: {  	s4 =	ssub.s32 $0x0, s20;
	[sflag:s22] =	ssyncset.done $0x0  }
0xa0: {  	[sflag:s22] =	ssyncadd.s32 s4;
	_ =	sdelay $0x1  }
0xa1: {  	s23 =	simm.s32 $0x1B8B  }
0xa2: {  	_ =	swait.ge [sflag:s23], $0x1  }
0xa3: {  	[sflag:s23] =	ssyncset.done $0x0  }
0xa4: {  	s25 =	simm.s32 $0x1B8E;
	s24 =	sld [smem:$0x3FFE];
	[sflag:s23] =	ssyncadd.s32 $0xFFFFFFFF  }
0xa5: {  	s26 =	simm.s32 $execute0_lowered;
	[smem:$0x3FD2] =	sst s25  }
0xa6: {  	s5 =	sshll.u32 s26, $0x1;
	_ =	strace $0x80000046;
	[dreg:$0x1] =	wrdreg $0xFFFFFFFF  }
0xa7: {  	s28 =	simm.s32 $_size_execute0_lowered;
	s3 =	sadd.s32 s3, s5;
	[dreg:$0x0] =	wrdreg $0x0  }
0xa8: {  	s5 =	sshll.u32 s28, $0x1;
	[dreg:$0x2] =	wrdreg s3  }
0xa9: {  	[dreg:$0x3] =	wrdreg s5  }
0xaa: {  	[dreg:$0x4] =	wrdreg $0xC0  }
0xab: {  	_ =	task [dreg:s7], $0x5FFFF  }
0xac: {  	[dreg:$0x1] =	wrdreg $0xFFFFFFFF  }
0xad: {  	[dreg:$0x0] =	wrdreg $0x60  }
0xae: {  	[dreg:$0x2] =	wrdreg s24  }
0xaf: {  	[dreg:$0x3] =	wrdreg s2  }
0xb0: {  	[dreg:$0x4] =	wrdreg $0x9  }
0xb1: {  	_ =	task.clear_ibuf [dreg:s7], $0x5FFFF;
	_ =	strace $0x90000046  }
0xb2: {  	s29 =	simm.s32 $0x9;
	_ =	strace $0x80000048  }
0xb3: {  	_ =	swait.ge [sflag:s29], $0x1  }
0xb4: {  	[sflag:s29] =	ssyncadd.s32 $0xFFFFFFFF  }
0xb5: {  	_ =	strace $0x90000048  }
0xb6: {  	_ =	sfence  }
0xb7: {  	s30 =	sld [smem:$0x0];
	_ =	sdelay $0x2  }
0xb8: {  	s31 =	sshll.u32 s1, $0xD;
	s1 =	sshrl.u32 s1, $0x2  }
0xb9: {  	s3 =	sand.u32 $0x4000, s31;
	s1 =	sadd.s32 s1, s30  }
0xba: {  	s0 =	sor.u32 s3, s0;
	s1 =	sshll.u32 s1, $0x11  }
0xbb: {  	s0 =	sor.u32 s1, s0  }
0xbc: {  	s0 =	sadd.s32 $0x8F2B, s0  }
0xbd: {  	[sflag:s0] =	ssyncadd.remote.s32 $0x1  }
0xbe: {  	_ =	sfence.sel $0xFFFF  }
0xbf: {  	[dreg:$0x0] =	wrdreg $0xFFFFFFFF;
	(pc) =	sbr.abs _section_cstart, $3  }
0xc0: {  	[dreg:$0x1] =	wrdreg $0xFFFFFFFF  }
0xc1: {  	_ =	task.clear_ibuf [dreg:s7], $0x2FFFF;
	_ =	strace $0x9FFFFFFF  }
0xc2: {  	(tm) =	ssettm $0x7FFFFFFF  }
0xc3: {  	_ =	shalt  }
tec
execute0_lowered:
.L_overlay_start_1:
0x0: {  	(tag) =	ssettag $0x1  }
0x1: {  	s0 =	rddreg [dreg:$0x0]  }
0x2: {  	s1 =	rddreg [dreg:$0x1];
	s3 =	simm.s32 $0x0  }
0x3: {  	s2 =	srdreg.scid;
	s5 =	stileid.u32;
	s9 =	simm.s32 $0x2  }
0x4: {  	s10 =	simm.s32 $0x80;
	s11 =	simm.s32 $0x200;
	s12 =	simm.s32 $0x600  }
0x5: {  	s13 =	simm.s32 $0x400;
	s14 =	simm.s32 $0x8600;
	s15 =	simm.s32 $0x280  }
0x6: {  	s16 =	simm.s32 $0x2600;
	s17 =	simm.s32 $0x480;
	s18 =	simm.s32 $0xA600  }
0x7: {  	s19 =	simm.s32 $0x300;
	s20 =	simm.s32 $0x4600;
	s21 =	simm.s32 $0x500  }
0x8: {  	s22 =	simm.s32 $0xC600;
	s23 =	simm.s32 $0x380;
	s24 =	simm.s32 $0x6600  }
0x9: {  	s25 =	simm.s32 $0x580;
	s26 =	simm.s32 $0xE600;
	s2 =	sand.u32 $0x1, s2  }
0xa: {  	s28 =	simm.s32 $0x1;
	s29 =	simm.s32 $0x0;
	s7 =	ssub.s32 $0x2, s2  }
0xb: {  	[smem:$0x7FF] =	sst s3;
	s4 =	sadd.s32 $0x4800, s0;
	s8 =	sshrl.u32 s7, $0x1  }
0xc: {  	s6 =	sshll.u32 s5, $0x1;
	s5 =	sadd.s32 $0x800, s0;
	s31 =	ssub.s32 s7, s8  }
0xd: {  	s2 =	sor.u32 s2, s6;
	s6 =	sadd.s32 $0x2800, s0;
	s0 =	smax.u32 s31, $0x1  }
0xe: {  	_ =	strace $0x80000047;
	s7 =	smul.u32 $0x6400, s2;
	[dreg:$0x3] =	wrdreg s0  }
.LBB2_1:
0xf: {  	s30 =	simm.s32 $0x0  }
.LBB2_2:
0x10: {  	s0 =	sshll.u32 s30, $0x9  }
0x11: {  	s31 =	sadd.s32 s7, s0  }
0x12: {  	s0 =	sshrl.u32 s31, $0x3  }
0x13: {  	s2 =	simm.s32 $0x0;
	s0 =	sadd.s32 s4, s0  }
0x14: {  	[tilespmem:s2], [sflag:$0x2] =	stream.linear.gather [hbm4b:s0+s2], $0x200, $0x38;
	[tilespmem:$0x10600] =	vst v63  }
0x15: {  	_ =	swait.ge [sflag:s9], $0x200  }
0x16: {  	[sflag:s9] =	ssyncset.done $0x0  }
0x17: {  	[sflag:s9] =	ssyncadd.s32 $0xFFFFFE00  }
0x18: {  	v1 =	vld [tilespmem:$0x0]  }
0x19: {  	v3 =	vld [tilespmem:$0x10]  }
0x1a: {  	v9 =	vld [tilespmem:$0x30]  }
0x1b: {  	v14 =	vld [tilespmem:$0x60]  }
0x1c: {  	v17 =	vld [tilespmem:$0x70]  }
0x1d: {  	v19 =	vld [tilespmem:$0x80]  }
0x1e: {  	v63 =	vld [tilespmem:$0x90]  }
0x1f: {  	v0 =	vcvt.s32.f32 v1  }
0x20: {  	v23 =	vld [tilespmem:$0xA0];
	v2 =	vcvt.s32.f32 v3;
	v8 =	vcvt.s32.f32 v9  }
0x21: {  	v24 =	vld [tilespmem:$0xB0];
	v55 =	vcvt.s32.f32 v14;
	v0 =	vmul.f32 $1.000000050e-03, v0  }
0x22: {  	v58 =	vcvt.s32.f32 v17;
	v21 =	vcvt.s32.f32 v19  }
0x23: {  	v5 =	vld [tilespmem:$0x20];
	v30 =	vcvt.s32.f32 v63;
	v0 =	vtrunc.f32 v0  }
0x24: {  	v2 =	vmul.f32 $1.000000050e-03, v2;
	v0 =	vcvt.f32.s32 v0  }
0x25: {  	v31 =	vcvt.s32.f32 v23;
	v21 =	vmul.f32 $1.000000050e-03, v21  }
0x26: {  	v26 =	vcvt.s32.f32 v24;
	v2 =	vtrunc.f32 v2;
	v4 =	vmul.u32 $0xFFFFFC18, v0  }
0x27: {  	v29 =	vtrunc.f32 v21;
	v21 =	vmul.f32 $1.000000050e-03, v30  }
0x28: {  	v30 =	vld [tilespmem:$0xE0];
	v6 =	vcvt.f32.s32 v2;
	v2 =	vcvt.s32.f32 v5;
	v4 =	vadd.s32 v1, v4  }
0x29: {  	v8 =	vmul.f32 $1.000000050e-03, v8;
	vm0 =	vgt.s32 v4, $0x3E7;
	v4 =	vshra.s32 v4, $0x1F  }
0x2a: {  	v60 =	vmul.f32 $1.000000050e-03, v58;
	v2 =	vmul.f32 $1.000000050e-03, v2;
	v4 =	vsel vm0, $0x1, v4  }
0x2b: {  	v10 =	vld [tilespmem:$0x40];
	v39 =	vmul.f32 $1.000000050e-03, v26;
	v0 =	vadd.s32 v0, v4;
	v4 =	vmul.u32 $0xFFFFFC18, v6  }
0x2c: {  	v12 =	vld [tilespmem:$0x50];
	v32 =	vtrunc.f32 v21;
	v2 =	vtrunc.f32 v2  }
0x2d: {  	v48 =	vcvt.s32.f32 v30;
	v7 =	vmul.u32 $0xFFFFFC18, v0;
	v4 =	vadd.s32 v3, v4  }
0x2e: {  	v11 =	vcvt.f32.s32 v2;
	vm9 =	vgt.s32 v4, $0x3E7;
	v4 =	vshra.s32 v4, $0x1F  }
0x2f: {  	v2 =	vadd.s32 v1, v7;
	v7 =	vtrunc.f32 v8;
	v4 =	vsel vm9, $0x1, v4  }
0x30: {  	v8 =	vcvt.s32.f32 v10;
	v1 =	vadd.s32 v6, v4;
	v4 =	vmul.u32 $0xFFFFFC18, v11  }
0x31: {  	v13 =	vcvt.f32.s32 v7;
	v7 =	vcvt.s32.f32 v12  }
0x32: {  	v8 =	vmul.f32 $1.000000050e-03, v8;
	v6 =	vmul.u32 $0xFFFFFC18, v1;
	v4 =	vadd.s32 v5, v4  }
0x33: {  	v16 =	vmul.u32 $0xFFFFFC18, v13;
	vm10 =	vgt.s32 v4, $0x3E7;
	v4 =	vshra.s32 v4, $0x1F  }
0x34: {  	v7 =	vmul.f32 $1.000000050e-03, v7;
	v15 =	vsel vm10, $0x1, v4;
	v4 =	vadd.s32 v3, v6  }
0x35: {  	v6 =	vtrunc.f32 v8;
	v8 =	vadd.s32 v9, v16;
	v3 =	vadd.s32 v11, v15  }
0x36: {  	v53 =	vcvt.f32.s32 v6;
	v6 =	vtrunc.f32 v7;
	vm11 =	vgt.s32 v8, $0x3E7  }
0x37: {  	v15 =	vtrunc.f32 v60;
	v7 =	vmul.u32 $0xFFFFFC18, v3;
	v54 =	vcvt.f32.s32 v6  }
0x38: {  	v6 =	vshra.s32 v8, $0x1F;
	v15 =	vcvt.f32.s32 v15;
	v8 =	vmul.u32 $0xFFFFFC18, v53  }
0x39: {  	v7 =	vadd.s32 v5, v7;
	v5 =	vsel vm11, $0x1, v6;
	v18 =	vmul.u32 $0xFFFFFC18, v54  }
0x3a: {  	v28 =	vmul.u32 $0xFFFFFC18, v15;
	v6 =	vadd.s32 v13, v5;
	v5 =	vadd.s32 v10, v8  }
0x3b: {  	v8 =	vmul.f32 $1.000000050e-03, v55;
	vm12 =	vgt.s32 v5, $0x3E7;
	v5 =	vshra.s32 v5, $0x1F  }
0x3c: {  	v56 =	vadd.s32 v12, v18;
	v20 =	vmul.u32 $0xFFFFFC18, v6;
	v18 =	vcvt.f32.s32 v29  }
0x3d: {  	v5 =	vsel vm12, $0x1, v5;
	vm13 =	vgt.s32 v56, $0x3E7;
	v8 =	vtrunc.f32 v8  }
0x3e: {  	v13 =	vshra.s32 v56, $0x1F;
	v57 =	vcvt.f32.s32 v8;
	v8 =	vadd.s32 v53, v5  }
0x3f: {  	v5 =	vsel vm13, $0x1, v13;
	v11 =	vadd.s32 v9, v20;
	v25 =	vmul.u32 $0xFFFFFC18, v18  }
0x40: {  	v5 =	vadd.s32 v54, v5;
	v61 =	vmul.u32 $0xFFFFFC18, v8;
	v59 =	vmul.u32 $0xFFFFFC18, v57  }
0x41: {  	v29 =	vld [tilespmem:$0xD0];
	v62 =	vmul.u32 $0xFFFFFC18, v5;
	v33 =	vadd.s32 v19, v25;
	v25 =	vtrunc.f32 v39  }
0x42: {  	vm4 =	vgt.s32 v33, $0x3E7;
	v25 =	vcvt.f32.s32 v25;
	v13 =	vadd.s32 v14, v59  }
0x43: {  	vm14 =	vgt.s32 v13, $0x3E7;
	v22 =	vshra.s32 v13, $0x1F;
	v13 =	vadd.s32 v10, v61  }
0x44: {  	v10 =	vadd.s32 v12, v62;
	v12 =	vadd.s32 v17, v28;
	v27 =	vsel vm14, $0x1, v22  }
0x45: {  	vm15 =	vgt.s32 v12, $0x3E7;
	v12 =	vshra.s32 v12, $0x1F;
	v22 =	vmul.f32 $1.000000050e-03, v31  }
0x46: {  	v31 =	vcvt.s32.f32 v29;
	v9 =	vadd.s32 v57, v27;
	v12 =	vsel vm15, $0x1, v12  }
0x47: {  	v16 =	vmul.u32 $0xFFFFFC18, v9;
	v12 =	vadd.s32 v15, v12;
	v15 =	vcvt.f32.s32 v32  }
0x48: {  	v42 =	vmul.u32 $0xFFFFFC18, v25;
	v27 =	vld [tilespmem:$0xC0];
	v34 =	vtrunc.f32 v22;
	v31 =	vmul.f32 $1.000000050e-03, v31  }
0x49: {  	v35 =	vmul.u32 $0xFFFFFC18, v12;
	v21 =	vcvt.f32.s32 v34;
	v14 =	vadd.s32 v14, v16  }
0x4a: {  	v32 =	vld [tilespmem:$0xF0];
	v16 =	vshra.s32 v33, $0x1F;
	v36 =	vmul.u32 $0xFFFFFC18, v15;
	v47 =	vtrunc.f32 v31  }
0x4b: {  	v34 =	vld [tilespmem:$0x100];
	v31 =	vmul.f32 $1.000000050e-03, v48;
	v17 =	vadd.s32 v17, v35;
	v16 =	vsel vm4, $0x1, v16  }
0x4c: {  	v37 =	vmul.u32 $0xFFFFFC18, v21;
	v16 =	vadd.s32 v18, v16;
	v38 =	vadd.s32 v63, v36  }
0x4d: {  	v40 =	vcvt.s32.f32 v27;
	v50 =	vtrunc.f32 v31;
	vm5 =	vgt.s32 v38, $0x3E7  }
0x4e: {  	v18 =	vshra.s32 v38, $0x1F;
	v22 =	vadd.s32 v23, v37;
	v28 =	vmul.u32 $0xFFFFFC18, v16  }
0x4f: {  	v58 =	vld [tilespmem:$0x120];
	v49 =	vcvt.s32.f32 v32;
	v18 =	vsel vm5, $0x1, v18;
	vm6 =	vgt.s32 v22, $0x3E7  }
0x50: {  	v22 =	vshra.s32 v22, $0x1F;
	v26 =	vmul.f32 $1.000000050e-03, v40;
	v36 =	vcvt.s32.f32 v34  }
0x51: {  	v18 =	vadd.s32 v15, v18;
	v41 =	vsel vm6, $0x1, v22;
	v22 =	vadd.s32 v24, v42  }
0x52: {  	v37 =	vld [tilespmem:$0x110];
	v15 =	vadd.s32 v21, v41;
	v21 =	vadd.s32 v19, v28;
	v43 =	vmul.u32 $0xFFFFFC18, v18  }
0x53: {  	v40 =	vld [tilespmem:$0x130];
	v26 =	vtrunc.f32 v26;
	vm7 =	vgt.s32 v22, $0x3E7;
	v28 =	vcvt.f32.s32 v47  }
0x54: {  	v33 =	vshra.s32 v22, $0x1F;
	v57 =	vmul.f32 $1.000000050e-03, v36;
	v41 =	vcvt.s32.f32 v58  }
0x55: {  	v44 =	vmul.u32 $0xFFFFFC18, v15;
	v26 =	vcvt.f32.s32 v26;
	v45 =	vsel vm7, $0x1, v33  }
0x56: {  	v42 =	vld [tilespmem:$0x140];
	v33 =	vmul.f32 $1.000000050e-03, v49;
	v22 =	vadd.s32 v63, v43;
	v19 =	vadd.s32 v25, v45  }
0x57: {  	v35 =	vmul.u32 $0xFFFFFC18, v28;
	v38 =	vcvt.s32.f32 v37;
	v46 =	vmul.u32 $0xFFFFFC18, v26  }
0x58: {  	v25 =	vmul.u32 $0xFFFFFC18, v19;
	v52 =	vtrunc.f32 v33;
	v43 =	vcvt.s32.f32 v40  }
0x59: {  	v51 =	vadd.s32 v29, v35;
	v31 =	vcvt.f32.s32 v52;
	v35 =	vtrunc.f32 v57  }
0x5a: {  	v45 =	vld [tilespmem:$0x150];
	v20 =	vadd.s32 v23, v44;
	v61 =	vmul.f32 $1.000000050e-03, v38;
	v38 =	vmul.f32 $1.000000050e-03, v41  }
0x5b: {  	v44 =	vcvt.s32.f32 v42;
	v23 =	vadd.s32 v27, v46;
	v24 =	vadd.s32 v24, v25  }
0x5c: {  	v25 =	vcvt.f32.s32 v50;
	vm9 =	vgt.s32 v51, $0x3E7;
	v35 =	vcvt.f32.s32 v35  }
0x5d: {  	v48 =	vld [tilespmem:$0x160];
	vm8 =	vgt.s32 v23, $0x3E7;
	v23 =	vshra.s32 v23, $0x1F;
	v55 =	vmul.u32 $0xFFFFFC18, v31  }
0x5e: {  	v23 =	vsel vm8, $0x1, v23;
	v54 =	vmul.u32 $0xFFFFFC18, v25;
	v60 =	vmul.u32 $0xFFFFFC18, v35  }
0x5f: {  	v47 =	vcvt.s32.f32 v45;
	v23 =	vadd.s32 v26, v23;
	v26 =	vshra.s32 v51, $0x1F  }
0x60: {  	v33 =	vadd.s32 v32, v55;
	v53 =	vmul.u32 $0xFFFFFC18, v23;
	v26 =	vsel vm9, $0x1, v26  }
0x61: {  	v56 =	vadd.s32 v30, v54;
	vm11 =	vgt.s32 v33, $0x3E7;
	v33 =	vshra.s32 v33, $0x1F  }
0x62: {  	v50 =	vmul.f32 $1.000000050e-03, v47;
	v54 =	vcvt.s32.f32 v48;
	v26 =	vadd.s32 v28, v26  }
0x63: {  	vm10 =	vgt.s32 v56, $0x3E7;
	v28 =	vshra.s32 v56, $0x1F;
	v59 =	vsel vm11, $0x1, v33  }
0x64: {  	v33 =	vtrunc.f32 v61;
	v27 =	vadd.s32 v27, v53;
	v28 =	vsel vm10, $0x1, v28  }
0x65: {  	v39 =	vmul.u32 $0xFFFFFC18, v26;
	v33 =	vcvt.f32.s32 v33;
	v52 =	vtrunc.f32 v50  }
0x66: {  	[tilespmem:$0x270] =	vst v12;
	v12 =	vmul.f32 $1.000000050e-03, v54;
	v28 =	vadd.s32 v25, v28;
	v25 =	vadd.s32 v31, v59  }
0x67: {  	[tilespmem:$0x450] =	vst v10;
	v31 =	vadd.s32 v34, v60;
	v10 =	vcvt.f32.s32 v52;
	v29 =	vadd.s32 v29, v39  }
0x68: {  	[tilespmem:$0x200] =	vst v0;
	v62 =	vmul.u32 $0xFFFFFC18, v28;
	v63 =	vmul.u32 $0xFFFFFC18, v25;
	vm12 =	vgt.s32 v31, $0x3E7  }
0x69: {  	[tilespmem:$0x400] =	vst v2;
	v53 =	vld [tilespmem:$0x170];
	v31 =	vshra.s32 v31, $0x1F;
	v41 =	vmul.u32 $0xFFFFFC18, v33;
	v12 =	vtrunc.f32 v12  }
0x6a: {  	[tilespmem:$0x210] =	vst v1;
	v0 =	vsel vm12, $0x1, v31;
	v31 =	vtrunc.f32 v38;
	v12 =	vcvt.f32.s32 v12  }
0x6b: {  	[tilespmem:$0x410] =	vst v4;
	v30 =	vadd.s32 v30, v62;
	v2 =	vadd.s32 v32, v63;
	v0 =	vadd.s32 v35, v0  }
0x6c: {  	[tilespmem:$0x220] =	vst v3;
	v60 =	vld [tilespmem:$0x190];
	v4 =	vadd.s32 v37, v41;
	v31 =	vcvt.f32.s32 v31;
	v32 =	vmul.f32 $1.000000050e-03, v44  }
0x6d: {  	[tilespmem:$0x420] =	vst v7;
	v1 =	vmul.u32 $0xFFFFFC18, v0;
	vm13 =	vgt.s32 v4, $0x3E7;
	v3 =	vshra.s32 v4, $0x1F  }
0x6e: {  	[tilespmem:$0x230] =	vst v6;
	v4 =	vmul.f32 $1.000000050e-03, v43;
	v59 =	vcvt.s32.f32 v53;
	v62 =	vmul.u32 $0xFFFFFC18, v12  }
0x6f: {  	[tilespmem:$0x430] =	vst v11;
	v54 =	vld [tilespmem:$0x1E0];
	v3 =	vsel vm13, $0x1, v3;
	v7 =	vmul.u32 $0xFFFFFC18, v31;
	v1 =	vadd.s32 v34, v1  }
0x70: {  	[tilespmem:$0x240] =	vst v8;
	v3 =	vadd.s32 v33, v3;
	v4 =	vtrunc.f32 v4;
	v61 =	vmul.f32 $1.000000050e-03, v59  }
0x71: {  	[tilespmem:$0x250] =	vst v5;
	v33 =	vcvt.s32.f32 v60;
	v6 =	vadd.s32 v58, v7;
	v4 =	vcvt.f32.s32 v4  }
0x72: {  	[tilespmem:$0x440] =	vst v13;
	v7 =	vtrunc.f32 v32;
	v8 =	vmul.u32 $0xFFFFFC18, v3;
	vm14 =	vgt.s32 v6, $0x3E7  }
0x73: {  	[tilespmem:$0x2A0] =	vst v15;
	v7 =	vcvt.f32.s32 v7;
	v6 =	vshra.s32 v6, $0x1F;
	v15 =	vtrunc.f32 v61  }
0x74: {  	[tilespmem:$0x4A0] =	vst v20;
	v34 =	vld [tilespmem:$0x1A0];
	v20 =	vmul.f32 $1.000000050e-03, v33;
	v61 =	vcvt.s32.f32 v54;
	v46 =	vmul.u32 $0xFFFFFC18, v4  }
0x75: {  	[tilespmem:$0x260] =	vst v9;
	v5 =	vadd.s32 v37, v8;
	v6 =	vsel vm14, $0x1, v6;
	v15 =	vcvt.f32.s32 v15  }
0x76: {  	[tilespmem:$0x460] =	vst v14;
	v8 =	vmul.u32 $0xFFFFFC18, v7;
	v6 =	vadd.s32 v31, v6;
	v20 =	vtrunc.f32 v20  }
0x77: {  	[tilespmem:$0x470] =	vst v17;
	v49 =	vadd.s32 v40, v46;
	v55 =	vmul.u32 $0xFFFFFC18, v6;
	v36 =	vmul.u32 $0xFFFFFC18, v15  }
0x78: {  	[tilespmem:$0x280] =	vst v16;
	v20 =	vcvt.f32.s32 v20;
	vm15 =	vgt.s32 v49, $0x3E7;
	v51 =	vshra.s32 v49, $0x1F  }
0x79: {  	[tilespmem:$0x290] =	vst v18;
	v41 =	vcvt.s32.f32 v34;
	v8 =	vadd.s32 v42, v8;
	v9 =	vsel vm15, $0x1, v51  }
0x7a: {  	[tilespmem:$0x480] =	vst v21;
	v46 =	vld [tilespmem:$0x1C0];
	vm4 =	vgt.s32 v8, $0x3E7;
	v8 =	vshra.s32 v8, $0x1F;
	v38 =	vadd.s32 v53, v36  }
0x7b: {  	[tilespmem:$0x490] =	vst v22;
	v43 =	vmul.u32 $0xFFFFFC18, v20;
	v4 =	vadd.s32 v4, v9;
	v8 =	vsel vm4, $0x1, v8  }
0x7c: {  	[tilespmem:$0x2B0] =	vst v19;
	v52 =	vld [tilespmem:$0x1D0];
	v9 =	vadd.s32 v58, v55;
	vm7 =	vgt.s32 v38, $0x3E7;
	v7 =	vadd.s32 v7, v8  }
0x7d: {  	[tilespmem:$0x4B0] =	vst v24;
	v58 =	vld [tilespmem:$0x180];
	v8 =	vmul.u32 $0xFFFFFC18, v10;
	v56 =	vmul.u32 $0xFFFFFC18, v4;
	v47 =	vadd.s32 v60, v43  }
0x7e: {  	[tilespmem:$0x310] =	vst v3;
	v57 =	vmul.u32 $0xFFFFFC18, v7;
	vm9 =	vgt.s32 v47, $0x3E7;
	v3 =	vshra.s32 v47, $0x1F  }
0x7f: {  	[tilespmem:$0x2C0] =	vst v23;
	v50 =	vcvt.s32.f32 v46;
	v8 =	vadd.s32 v45, v8;
	v13 =	vadd.s32 v40, v56  }
0x80: {  	[tilespmem:$0x2D0] =	vst v26;
	v3 =	vsel vm9, $0x1, v3;
	vm5 =	vgt.s32 v8, $0x3E7;
	v8 =	vshra.s32 v8, $0x1F  }
0x81: {  	[tilespmem:$0x4C0] =	vst v27;
	v56 =	vcvt.s32.f32 v52;
	v14 =	vadd.s32 v42, v57;
	v8 =	vsel vm5, $0x1, v8  }
0x82: {  	[tilespmem:$0x2E0] =	vst v28;
	v3 =	vadd.s32 v20, v3;
	v31 =	vcvt.s32.f32 v58;
	v8 =	vadd.s32 v10, v8  }
0x83: {  	[tilespmem:$0x340] =	vst v7;
	v57 =	vld [tilespmem:$0x1F0];
	v7 =	vmul.u32 $0xFFFFFC18, v3;
	v10 =	vadd.s32 v48, v62;
	v63 =	vmul.u32 $0xFFFFFC18, v8  }
0x84: {  	[tilespmem:$0x2F0] =	vst v25;
	vm6 =	vgt.s32 v10, $0x3E7;
	v10 =	vshra.s32 v10, $0x1F;
	v19 =	vmul.f32 $1.000000050e-03, v31  }
0x85: {  	[tilespmem:$0x4D0] =	vst v29;
	v42 =	vld [tilespmem:$0x1B0];
	v59 =	vmul.f32 $1.000000050e-03, v56;
	v7 =	vadd.s32 v60, v7;
	v10 =	vsel vm6, $0x1, v10  }
0x86: {  	[tilespmem:$0x4E0] =	vst v30;
	v17 =	vadd.s32 v45, v63;
	v37 =	vtrunc.f32 v19;
	v45 =	vmul.f32 $1.000000050e-03, v41  }
0x87: {  	[tilespmem:$0x4F0] =	vst v2;
	v10 =	vadd.s32 v12, v10;
	v19 =	vshra.s32 v38, $0x1F;
	v12 =	vcvt.f32.s32 v37  }
0x88: {  	[tilespmem:$0x500] =	vst v1;
	v63 =	vcvt.s32.f32 v57;
	v39 =	vmul.u32 $0xFFFFFC18, v10;
	v1 =	vtrunc.f32 v45  }
0x89: {  	[tilespmem:$0x300] =	vst v0;
	v19 =	vsel vm7, $0x1, v19;
	v40 =	vmul.u32 $0xFFFFFC18, v12;
	v1 =	vcvt.f32.s32 v1  }
0x8a: {  	[tilespmem:$0x510] =	vst v5;
	v2 =	vadd.s32 v15, v19;
	v22 =	vadd.s32 v48, v39;
	v48 =	vcvt.s32.f32 v42  }
0x8b: {  	[tilespmem:$0x320] =	vst v6;
	v5 =	vmul.u32 $0xFFFFFC18, v2;
	v44 =	vadd.s32 v58, v40;
	v6 =	vmul.u32 $0xFFFFFC18, v1  }
0x8c: {  	[tilespmem:$0x520] =	vst v9;
	v49 =	vmul.f32 $1.000000050e-03, v48;
	vm8 =	vgt.s32 v44, $0x3E7;
	v0 =	vshra.s32 v44, $0x1F  }
0x8d: {  	[tilespmem:$0x330] =	vst v4;
	v5 =	vadd.s32 v53, v5;
	v53 =	vmul.f32 $1.000000050e-03, v50;
	v0 =	vsel vm8, $0x1, v0  }
0x8e: {  	[tilespmem:$0x530] =	vst v13;
	v4 =	vadd.s32 v34, v6;
	v6 =	vtrunc.f32 v49;
	v0 =	vadd.s32 v12, v0  }
0x8f: {  	[tilespmem:$0x540] =	vst v14;
	vm10 =	vgt.s32 v4, $0x3E7;
	v4 =	vshra.s32 v4, $0x1F;
	v6 =	vcvt.f32.s32 v6  }
0x90: {  	[tilespmem:$0x390] =	vst v3;
	v12 =	vtrunc.f32 v53;
	v51 =	vmul.u32 $0xFFFFFC18, v0;
	v4 =	vsel vm10, $0x1, v4  }
0x91: {  	[tilespmem:$0x350] =	vst v8;
	v12 =	vcvt.f32.s32 v12;
	v1 =	vadd.s32 v1, v4;
	v4 =	vmul.u32 $0xFFFFFC18, v6  }
0x92: {  	v62 =	vmul.f32 $1.000000050e-03, v61;
	[tilespmem:$0x590] =	vst v7;
	v8 =	vadd.s32 v58, v51;
	v55 =	vmul.u32 $0xFFFFFC18, v1  }
0x93: {  	v58 =	vmul.u32 $0xFFFFFC18, v12;
	v4 =	vadd.s32 v42, v4;
	[tilespmem:$0x580] =	vst v8;
	v8 =	vmul.f32 $1.000000050e-03, v63  }
0x94: {  	[tilespmem:$0x550] =	vst v17;
	v9 =	vadd.s32 v34, v55;
	vm11 =	vgt.s32 v4, $0x3E7;
	v4 =	vshra.s32 v4, $0x1F  }
0x95: {  	[tilespmem:$0x370] =	vst v2;
	v60 =	vadd.s32 v46, v58;
	v2 =	vsel vm11, $0x1, v4;
	v4 =	vtrunc.f32 v59  }
0x96: {  	[tilespmem:$0x570] =	vst v5;
	vm12 =	vgt.s32 v60, $0x3E7;
	v5 =	vshra.s32 v60, $0x1F;
	v4 =	vcvt.f32.s32 v4  }
0x97: {  	[tilespmem:$0x380] =	vst v0;
	v8 =	vtrunc.f32 v8;
	v0 =	vadd.s32 v6, v2;
	v6 =	vtrunc.f32 v62  }
0x98: {  	[tilespmem:$0x360] =	vst v10;
	v2 =	vsel vm12, $0x1, v5;
	v6 =	vcvt.f32.s32 v6;
	v3 =	vmul.u32 $0xFFFFFC18, v4  }
0x99: {  	[tilespmem:$0x560] =	vst v22;
	v8 =	vcvt.f32.s32 v8;
	v5 =	vmul.u32 $0xFFFFFC18, v0;
	v2 =	vadd.s32 v12, v2  }
0x9a: {  	[tilespmem:$0x3A0] =	vst v1;
	v7 =	vmul.u32 $0xFFFFFC18, v2;
	v1 =	vadd.s32 v52, v3;
	v3 =	vmul.u32 $0xFFFFFC18, v6  }
0x9b: {  	[tilespmem:$0x5A0] =	vst v9;
	v5 =	vadd.s32 v42, v5;
	vm13 =	vgt.s32 v1, $0x3E7;
	v1 =	vshra.s32 v1, $0x1F  }
0x9c: {  	[tilespmem:$0x3B0] =	vst v0;
	v0 =	vsel vm13, $0x1, v1;
	v1 =	vadd.s32 v54, v3;
	v3 =	vmul.u32 $0xFFFFFC18, v8  }
0x9d: {  	[tilespmem:$0x3C0] =	vst v2;
	v7 =	vadd.s32 v46, v7;
	vm14 =	vgt.s32 v1, $0x3E7;
	v1 =	vshra.s32 v1, $0x1F  }
0x9e: {  	[tilespmem:$0x5B0] =	vst v5;
	v0 =	vadd.s32 v4, v0;
	v1 =	vsel vm14, $0x1, v1;
	v3 =	vadd.s32 v57, v3  }
0x9f: {  	[tilespmem:$0x5C0] =	vst v7;
	v2 =	vmul.u32 $0xFFFFFC18, v0;
	vm15 =	vgt.s32 v3, $0x3E7;
	v3 =	vshra.s32 v3, $0x1F  }
0xa0: {  	[tilespmem:$0x3D0] =	vst v0;
	v1 =	vadd.s32 v6, v1;
	v0 =	vsel vm15, $0x1, v3  }
0xa1: {  	v2 =	vadd.s32 v52, v2;
	v3 =	vmul.u32 $0xFFFFFC18, v1;
	[tilespmem:$0x3E0] =	vst v1;
	v0 =	vadd.s32 v8, v0  }
0xa2: {  	[tilespmem:$0x5D0] =	vst v2;
	v1 =	vmul.u32 $0xFFFFFC18, v0  }
0xa3: {  	v2 =	vadd.s32 v54, v3;
	[tilespmem:$0x3F0] =	vst v0  }
0xa4: {  	[tilespmem:$0x5E0] =	vst v2;
	v1 =	vadd.s32 v57, v1  }
0xa5: {  	[tilespmem:$0x5F0] =	vst v1  }
0xa6: {  	[tilespmem:s12], [sflag:$0x1] =	stream.indirect.gather [hbm4b:s5+s10], $0x40, s11, s10, $0xb8;
	[tilespmem:$0x10600] =	vst v63  }
0xa7: {  	_ = 	snop  }
0xa8: {  	[tilespmem:s14], [sflag:$0x1] =	stream.indirect.gather [hbm4b:s6+s10], $0x40, s13, s10, $0xb8;
	[tilespmem:$0x10600] =	vst v63  }
0xa9: {  	_ = 	snop  }
0xaa: {  	[tilespmem:s16], [sflag:$0x1] =	stream.indirect.gather [hbm4b:s5+s10], $0x40, s15, s10, $0xb8;
	[tilespmem:$0x10600] =	vst v63  }
0xab: {  	_ = 	snop  }
0xac: {  	[tilespmem:s18], [sflag:$0x1] =	stream.indirect.gather [hbm4b:s6+s10], $0x40, s17, s10, $0xb8;
	[tilespmem:$0x10600] =	vst v63  }
0xad: {  	_ = 	snop  }
0xae: {  	[tilespmem:s20], [sflag:$0x1] =	stream.indirect.gather [hbm4b:s5+s10], $0x40, s19, s10, $0xb8;
	[tilespmem:$0x10600] =	vst v63  }
0xaf: {  	_ = 	snop  }
0xb0: {  	[tilespmem:s22], [sflag:$0x1] =	stream.indirect.gather [hbm4b:s6+s10], $0x40, s21, s10, $0xb8;
	[tilespmem:$0x10600] =	vst v63  }
0xb1: {  	_ = 	snop  }
0xb2: {  	[tilespmem:s24], [sflag:$0x1] =	stream.indirect.gather [hbm4b:s5+s10], $0x40, s23, s10, $0xb8;
	[tilespmem:$0x10600] =	vst v63  }
0xb3: {  	_ = 	snop  }
0xb4: {  	[tilespmem:s26], [sflag:$0x1] =	stream.indirect.gather [hbm4b:s6+s10], $0x40, s25, s10, $0xb8;
	[tilespmem:$0x10600] =	vst v63  }
0xb5: {  	_ =	swait.ge [sflag:s28], $0x2000  }
0xb6: {  	[sflag:s28] =	ssyncset.done $0x0  }
0xb7: {  	[sflag:s28] =	ssyncadd.s32 $0xFFFFE000  }
0xb8: {  	_ =	swait.ge [sflag:s28], $0x2000  }
0xb9: {  	[sflag:s28] =	ssyncset.done $0x0  }
0xba: {  	[sflag:s28] =	ssyncadd.s32 $0xFFFFE000  }
0xbb: {  	_ =	swait.ge [sflag:s28], $0x2000  }
0xbc: {  	[sflag:s28] =	ssyncset.done $0x0  }
0xbd: {  	[sflag:s28] =	ssyncadd.s32 $0xFFFFE000  }
0xbe: {  	_ =	swait.ge [sflag:s28], $0x2000  }
0xbf: {  	[sflag:s28] =	ssyncset.done $0x0  }
0xc0: {  	[sflag:s28] =	ssyncadd.s32 $0xFFFFE000  }
0xc1: {  	_ =	swait.ge [sflag:s28], $0x2000  }
0xc2: {  	[sflag:s28] =	ssyncset.done $0x0  }
0xc3: {  	[sflag:s28] =	ssyncadd.s32 $0xFFFFE000  }
0xc4: {  	_ =	swait.ge [sflag:s28], $0x2000  }
0xc5: {  	[sflag:s28] =	ssyncset.done $0x0  }
0xc6: {  	[sflag:s28] =	ssyncadd.s32 $0xFFFFE000  }
0xc7: {  	_ =	swait.ge [sflag:s28], $0x2000  }
0xc8: {  	[sflag:s28] =	ssyncset.done $0x0  }
0xc9: {  	[sflag:s28] =	ssyncadd.s32 $0xFFFFE000  }
0xca: {  	_ =	swait.ge [sflag:s28], $0x2000  }
0xcb: {  	[sflag:s28] =	ssyncset.done $0x0  }
0xcc: {  	s0 =	simm.s32 $0x0;
	[sflag:s28] =	ssyncadd.s32 $0xFFFFE000  }
0xcd: {  	v5 =	vld [tilespmem:s0+$0x8600]  }
0xce: {  	v6 =	vld [tilespmem:s0+$0x8610]  }
0xcf: {  	v1 =	vld [tilespmem:s0+$0x8620]  }
0xd0: {  	v0 =	vld [tilespmem:s0+$0x8630]  }
0xd1: {  	v2 =	vld [tilespmem:s0+$0x600]  }
0xd2: {  	v4 =	vld [tilespmem:s0+$0x610]  }
0xd3: {  	s2 =	simm.s32 $0x100;
	v3 =	vld [tilespmem:s0+$0x620]  }
.LBB2_3:
0xd4: {  	s8 =	sshra.s32 s2, $0x2;
	p0 =	sne.s32 s2, $0x1FF00;
	v7 =	vld [tilespmem:s0+$0x630];
	v8 =	vmov v1  }
0xd5: {  	v9 =	vld [tilespmem:s8+$0x8600];
	v10 =	vmov v0  }
0xd6: {  	v11 =	vld [tilespmem:s8+$0x8610];
	v2 =	vadd.f32 v5, v2  }
.Ltmp0:
0xd7: {  	v1 =	vld [tilespmem:s8+$0x8620];
	v4 =	vadd.f32 v6, v4;
	(pc) =	sbr.rel @p0 .LBB2_3-.Ltmp0, $4  }
0xd8: {  	v0 =	vld [tilespmem:s8+$0x8630];
	[tilespmem:s0+$0x600] =	vst v2;
	v3 =	vadd.f32 v8, v3  }
0xd9: {  	v2 =	vld [tilespmem:s8+$0x600];
	[tilespmem:s0+$0x610] =	vst v4;
	v7 =	vadd.f32 v10, v7  }
0xda: {  	v4 =	vld [tilespmem:s8+$0x610];
	[tilespmem:s0+$0x620] =	vst v3;
	v5 =	vmov v9  }
0xdb: {  	s2 =	sadd.s32 $0x100, s2;
	v3 =	vld [tilespmem:s8+$0x620];
	[tilespmem:s0+$0x630] =	vst v7;
	v6 =	vmov v11;
	s0 =	smov.u32 s8  }
0xdc: {  	v7 =	vld [tilespmem:s0+$0x630];
	_ =	sdelay $0x1  }
0xdd: {  	v2 =	vadd.f32 v5, v2  }
0xde: {  	v4 =	vadd.f32 v6, v4  }
0xdf: {  	[tilespmem:s0+$0x600] =	vst v2;
	v1 =	vadd.f32 v1, v3  }
0xe0: {  	s30 =	sadd.s32 $0x1, s30;
	[tilespmem:s0+$0x610] =	vst v4;
	v0 =	vadd.f32 v0, v7  }
0xe1: {  	s2 =	sshll.u32 s31, $0x3;
	p0 =	sne.s32 s30, $0x32;
	[tilespmem:s0+$0x620] =	vst v1  }
.Ltmp1:
0xe2: {  	s31 =	sadd.s32 s1, s2;
	[tilespmem:s0+$0x630] =	vst v0;
	(pc) =	sbr.rel @p0 .LBB2_2-.Ltmp1, $4  }
0xe3: {  	[hbm4b:s31+s3] =	stream.linear.scatter [tilespmem:s12], [sflag:$0x2], $0x8000, $0x38;
	[tilespmem:$0x10600] =	vst v63  }
0xe4: {  	_ =	swait.ge [sflag:s9], $0x8000  }
0xe5: {  	[sflag:s9] =	ssyncset.done $0x0  }
0xe6: {  	[sflag:s9] =	ssyncadd.s32 $0xFFFF8000  }
0xe7: {  	s29 =	sadd.s32 $0x1, s29;
	s0 =	rddreg [dreg:$0x3]  }
0xe8: {  	p0 =	sne.s32 s29, s0  }
.Ltmp2:
0xe9: {  	_ = 	snop;
	(pc) =	sbr.rel @p0 .LBB2_1-.Ltmp2, $1  }
0xea: {  	_ =	sdelay $0x3  }
0xeb: {  	_ =	sfence.sel $0x180000  }
0xec: {  	[bflag:$0x0] =	sbarrier.arrive $0xFFFF  }
0xed: {  	_ =	strace $0x90000047  }
0xee: {  	s0 =	stileid.u32;
	[bflag:$0x2] =	sbarrier.arrive $0xFFFF  }
0xef: {  	p0 =	sne.s32 s0, $0x0;
	s0 =	rddreg [dreg:$0x2]  }
0xf0: {  	s0 =	sadd.s32 @!p0 $0x100000, s0  }
0xf1: {  	[sflag:s0] =	ssyncadd.tile.s32 @!p0 $0x1;
	_ =	shalt  }
.Lfunc_end2:
_tile_overlayer_lowered:
.L_overlay_start_2:
0xf2: {  	(tag) =	ssettag $0x2  }
0xf3: {  	s0 =	rddreg [dreg:$0x0];
	s2 =	stileid.u32  }
0xf4: {  	s1 =	rddreg [dreg:$0x1];
	p0 =	sne.s32 s2, $0x0  }
0xf5: {  	s3 =	rddreg [dreg:$0x2];
	[bflag:$0x3] =	sbarrier.arrive $0xFFFF;
	s2 =	simm.s32 @!p0 $0x1C02  }
0xf6: {  	[timem:s3], [sflag:s2] =	dma.local @!p0 [hbm:s0], s1  }
0xf7: {  	s0 =	simm.s32 @!p0 $0x2  }
0xf8: {  	_ =	swait.ge @!p0 [sflag:s0], s1  }
0xf9: {  	s1 =	ssub.s32 @!p0 $0x0, s1;
	[sflag:s0] =	ssyncset.done @!p0 $0x0  }
0xfa: {  	[sflag:s0] =	ssyncadd.s32 @!p0 s1  }
0xfb: {  	[bflag:$0x3] =	sbarrier.arrive $0xFFFF  }
0xfc: {  	_ =	shalt  }

// kernel: sparse-core-data-format-call.cloned.1.call-start
scs
called_computation_lowered:
.L_overlay_start_0:
0x0: {  	s2 =	sld [smem:$0x3FD9]  }
0x1: {  	s3 =	sld [smem:$0x3FFE];
	_ =	sdelay $0x1  }
0x2: {  	s1 =	srdreg.scid  }
0x3: {  	s0 =	sand.u32 $0x1, s1  }
0x4: {  	s18 =	sshll.u32 s0, $0xA;
	s2 =	sadd.s32 s3, s2  }
0x5: {  	s2 =	sadd.s32 s2, s18  }
0x6: {  	[smem:$0x3FC5] =	sst s2  }
0x7: {  	_ = 	snop  }
0x8: {  	s2 =	sld [smem:$0x3FD0];
	(tm) =	ssettm $0x1  }
0x9: {  	s19 =	sld [smem:$0x3FFB];
	_ =	sdelay $0x3  }
0xa: {  	_ =	strace s19  }
0xb: {  	s3 =	sld [smem:$0x3FFC];
	_ =	sdelay $0x3  }
0xc: {  	_ =	strace s3  }
0xd: {  	s3 =	sld [smem:$0x3FFD];
	_ =	sdelay $0x3  }
0xe: {  	_ =	strace s3  }
0xf: {  	_ =	strace $0x8FFFFFFF  }
0x10: {  	s20 =	sld [smem:$0x3FDB];
	_ =	sdelay $0x1  }
0x11: {  	s4 =	simm.s32 $_scs_section_size  }
0x12: {  	s5 =	simm.s32 $_size__tile_overlayer_lowered;
	s6 =	simm.s32 $_tile_overlayer_lowered  }
0x13: {  	s23 =	simm.s32 $0x1BFF;
	s22 =	sshll.u32 s6, $0x1;
	s3 =	sadd.s32 s4, s20  }
0x14: {  	s7 =	simm.s32 $0x0;
	s21 =	sshll.u32 s5, $0x1;
	s5 =	sadd.s32 s22, s3  }
0x15: {  	[timem:s7], [sflag:s23] =	dma.local [hbm:s5], s21  }
0x16: {  	_ =	swait.ge [sflag:s23], s21  }
0x17: {  	s4 =	ssub.s32 $0x0, s21;
	[sflag:s23] =	ssyncset.done $0x0  }
0x18: {  	[sflag:s23] =	ssyncadd.s32 s4;
	_ =	sdelay $0x1  }
0x19: {  	s24 =	simm.s32 $0x1B8B  }
0x1a: {  	_ =	swait.ge [sflag:s24], $0x1  }
0x1b: {  	[sflag:s24] =	ssyncset.done $0x0  }
0x1c: {  	s26 =	simm.s32 $0x1B8E;
	s25 =	sld [smem:$0x3FFE];
	[sflag:s24] =	ssyncadd.s32 $0xFFFFFFFF  }
0x1d: {  	s27 =	simm.s32 $execute0_lowered;
	[smem:$0x3FD2] =	sst s26  }
0x1e: {  	s5 =	sshll.u32 s27, $0x1;
	_ =	strace $0x80000049;
	[dreg:$0x1] =	wrdreg $0xFFFFFFFF  }
0x1f: {  	s28 =	simm.s32 $_size_execute0_lowered;
	s3 =	sadd.s32 s3, s5;
	[dreg:$0x0] =	wrdreg $0x0  }
0x20: {  	s5 =	sshll.u32 s28, $0x1;
	[dreg:$0x2] =	wrdreg s3  }
0x21: {  	[dreg:$0x3] =	wrdreg s5  }
0x22: {  	[dreg:$0x4] =	wrdreg $0xC0  }
0x23: {  	_ =	task [dreg:s7], $0x5FFFF  }
0x24: {  	[dreg:$0x1] =	wrdreg $0xFFFFFFFF  }
0x25: {  	[dreg:$0x0] =	wrdreg $0x60  }
0x26: {  	[dreg:$0x2] =	wrdreg s25  }
0x27: {  	[dreg:$0x3] =	wrdreg s2  }
0x28: {  	[dreg:$0x4] =	wrdreg $0x9  }
0x29: {  	_ =	task.clear_ibuf [dreg:s7], $0x5FFFF;
	_ =	strace $0x90000049  }
0x2a: {  	s29 =	simm.s32 $0x9;
	_ =	strace $0x8000004B  }
0x2b: {  	_ =	swait.ge [sflag:s29], $0x1  }
0x2c: {  	[sflag:s29] =	ssyncadd.s32 $0xFFFFFFFF  }
0x2d: {  	_ =	strace $0x9000004B  }
0x2e: {  	_ =	sfence  }
0x2f: {  	s30 =	sld [smem:$0x0];
	_ =	sdelay $0x2  }
0x30: {  	s31 =	sshll.u32 s1, $0xD;
	s1 =	sshrl.u32 s1, $0x2  }
0x31: {  	s3 =	sand.u32 $0x4000, s31;
	s1 =	sadd.s32 s1, s30  }
0x32: {  	s0 =	sor.u32 s3, s0;
	s1 =	sshll.u32 s1, $0x11  }
0x33: {  	s0 =	sor.u32 s1, s0  }
0x34: {  	s0 =	sadd.s32 $0x8F2B, s0  }
0x35: {  	[sflag:s0] =	ssyncadd.remote.s32 $0x1  }
0x36: {  	_ =	sfence.sel $0xFFFF  }
0x37: {  	[dreg:$0x0] =	wrdreg $0xFFFFFFFF;
	(pc) =	sbr.abs _section_cstart, $3  }
0x38: {  	[dreg:$0x1] =	wrdreg $0xFFFFFFFF  }
0x39: {  	_ =	task.clear_ibuf [dreg:s7], $0x2FFFF;
	_ =	strace $0x9FFFFFFF  }
0x3a: {  	(tm) =	ssettm $0x7FFFFFFF  }
0x3b: {  	_ =	shalt  }
tec
execute0_lowered:
.L_overlay_start_1:
0x0: {  	(tag) =	ssettag $0x1  }
0x1: {  	s0 =	srdreg.scid  }
0x2: {  	s1 =	sshll.u32 s0, $0x4  }
0x3: {  	s0 =	stileid.u32;
	s1 =	sand.u32 $0x10, s1  }
0x4: {  	s1 =	sor.u32 s0, s1  }
0x5: {  	s6 =	rddreg [dreg:$0x0];
	s4 =	simm.s32 $0x1;
	s2 =	sshll.u32 s1, $0x7  }
0x6: {  	s7 =	simm.s32 $0x2;
	s12 =	simm.s32 $0x0;
	s1 =	ssub.s32 $0x1000, s2  }
0x7: {  	s8 =	simm.s32 $0x8000;
	s13 =	simm.s32 $0x0;
	s3 =	sand.u32 $0xF80, s1  }
0x8: {  	s9 =	simm.s32 $0x0;
	s5 =	sshrl.u32 s1, $0xC;
	p0 =	sne.s32 s3, $0x0  }
.Ltmp0:
0x9: {  	s1 =	rddreg [dreg:$0x2];
	s4 =	simm.s32 @!p0 $0x0;
	(pc) =	sbr.rel .LBB1_1-.Ltmp0, $4  }
0xa: {  	s11 =	simm.s32 $0x0;
	s3 =	rddreg [dreg:$0x1];
	s5 =	sadd.s32 s4, s5  }
0xb: {  	_ =	strace $0x8000004A;
	s4 =	simm.s32 $0x1;
	s5 =	smul.u32 $0xC8, s5  }
0xc: {  	s6 =	sadd.s32 $0x800, s6;
	s10 =	smov.u32 s2;
	[sflag:s4] =	ssyncpa.u1 $0x0  }
0xd: {  	p0 =	por $0x0, $0x0;
	[sflag:s7] =	ssyncpa.u1 $0x0;
	s7 =	sor.u32 $0x1, s5  }
.LBB1_4:
0xe: {  	s16 =	sshll.u32 s13, $0x3;
	s17 =	sand.u32 $0x78, s13  }
0xf: {  	s30 =	sand.u32 $0x7E00, s13;
	s12 =	sshll.u32 s12, $0xF;
	s16 =	sand.u32 $0xC00, s16  }
0x10: {  	[tilespmem:s15+$0x810 ss:$0x81] =	vst.msk $0xffff, v2;
	s31 =	sand.u32 $0x7, s13;
	s16 =	sor.u32 s17, s16;
	s17 =	sadd.s32 s3, s30  }
0x11: {  	[tilespmem:s15+$0x1020 ss:$0x81] =	vst.msk $0xffff, v0;
	s13 =	sshll.u32 s31, $0x12;
	s12 =	sadd.s32 s12, s17;
	s16 =	sshrl.u32 s16, $0x3  }
0x12: {  	[tilespmem:s15+$0x0 ss:$0x81] =	vst.msk $0xffff, v1;
	s13 =	sor.u32 $0x400, s13;
	s12 =	sadd.s32 s16, s12  }
0x13: {  	[hbm4b:s12+s13] =	stream.strided.scatter [tilespmem:s14], [sflag:$0x2], $0x2000, s8, s13, $0x20;
	[tilespmem:$0x8080] =	vst v63  }
.LBB1_5:
0x14: {  	s14 =	sadd.s32 $0x1, s9  }
0x15: {  	s12 =	sadd.s32 $0x1000, s10;
	s16 =	smov.u32 s10;
	p2 =	sgt.s32 s14, $0xC7  }
0x16: {  	s16 =	smov.u32 @p2 s12  }
0x17: {  	s14 =	simm.s32 @p2 $0x0;
	p2 =	sgt.s32 s16, $0xFFF  }
0x18: {  	s16 =	smov.u32 @p2 s2;
	p2 =	sne.s32 s11, s7  }
.Ltmp1:
0x19: {  	p1 =	slt.u32 s11, $0x2;
	(pc) =	sbr.rel @!p2 .LBB1_6-.Ltmp1, $4  }
0x1a: {  	s15 =	simm.s32 @!p1 $0x2  }
0x1b: {  	s13 =	smov.u32 s10;
	p0 =	por !p0, !p0;
	_ =	swait.ge @!p1 [sflag:s15], $0x2000  }
0x1c: {  	s12 =	smov.u32 s9;
	[sflag:s15] =	ssyncset.done @!p1 $0x0;
	s9 =	smov.u32 s14  }
0x1d: {  	s11 =	sadd.s32 $0x1, s11;
	[sflag:s15] =	ssyncadd.s32 @!p1 $0xFFFFE000;
	s10 =	smov.u32 s16  }
.LBB1_1:
0x1e: {  	p1 =	sge.u32 s11, s5  }
0x1f: {  	s14 =	sand.u32 @!p1 $0x1FFFFFF, s9  }
0x20: {  	s15 =	smulhi.u32 @!p1 $0x147AE15, s14;
	_ =	sdelay $0x1  }
0x21: {  	s15 =	smul.u32 @!p1 $0xC8, s15  }
0x22: {  	s16 =	sxor.u32 @!p1 $0xFFFFFFFF, s11;
	s17 =	smul.u32 @!p1 $0xC80, s10  }
0x23: {  	s31 =	sadd.s32 $0xFFFFFFFF, s11;
	s16 =	sshll.u32 @!p1 s16, $0xD;
	s14 =	ssub.s32 @!p1 s14, s15  }
0x24: {  	s15 =	sand.u32 @!p1 $0x2000, s16;
	s16 =	sadd.s32 @!p1 s6, s17;
	s14 =	sshll.u32 @!p1 s14, $0x4  }
0x25: {  	s17 =	simm.s32 @!p1 $0x6400;
	s14 =	sadd.s32 @!p1 s14, s16;
	s16 =	simm.s32 @!p1 $0x40  }
0x26: {  	[tilespmem:s15], [sflag:$0x1] =	stream.strided.gather @!p1 [hbm4b:s14+s16], $0x2000, s17, s16, $0x38;
	[tilespmem:$0x8080] =	vst v63  }
0x27: {  	p1 =	sge.u32 s31, s5  }
.Ltmp2:
0x28: {  	_ = 	snop;
	(pc) =	sbr.rel @p1 .LBB1_5-.Ltmp2, $1  }
0x29: {  	_ =	sdelay $0x3  }
0x2a: {  	s14 =	simm.s32 $0x1  }
0x2b: {  	_ =	swait.ge [sflag:s4], $0x2000;
	s14 =	simm.s32 @!p0 $0x0  }
0x2c: {  	[sflag:s4] =	ssyncset.done $0x0;
	s15 =	sshll.u32 s14, $0xD  }
0x2d: {  	[sflag:s4] =	ssyncadd.s32 $0xFFFFE000;
	s18 =	sor.u32 $0x20, s15  }
0x2e: {  	s14 =	smul.u32 $0x8100, s14;
	v3 =	vld [tilespmem:s18+$0x10]  }
0x2f: {  	s30 =	sand.u32 $0x1, s11;
	v2 =	vld [tilespmem:s18+$0xFFFFFFF0]  }
0x30: {  	s15 =	smul.u32 $0x8100, s30;
	s14 =	sshrl.u32 s14, $0x2;
	v0 =	vld [tilespmem:s18+$0x0]  }
0x31: {  	v1 =	vld [tilespmem:s18+$0xFFFFFFE0];
	s16 =	sor.u32 $0x4000, s14  }
0x32: {  	s31 =	sshrl.u32 s15, $0x2;
	s15 =	sadd.s32 $0x0, s16  }
0x33: {  	s17 =	simm.s32 $0x4;
	s18 =	sadd.s32 $0x40, s18;
	s14 =	sor.u32 $0x4000, s31;
	[tilespmem:s15+$0x1830 ss:$0x81] =	vst.msk $0xffff, v3  }
.LBB1_3:
0x34: {  	v3 =	vld [tilespmem:s18+$0x10];
	p1 =	sne.s32 s17, $0x1FC;
	[tilespmem:s15+$0x810 ss:$0x81] =	vst.msk $0xffff, v2;
	s19 =	smov.u32 s17;
	s17 =	sadd.s32 $0x4, s17  }
.Ltmp3:
0x35: {  	v2 =	vld [tilespmem:s18+$0xFFFFFFF0];
	[tilespmem:s15+$0x1020 ss:$0x81] =	vst.msk $0xffff, v0;
	(pc) =	sbr.rel @p1 .LBB1_3-.Ltmp3, $4  }
0x36: {  	v0 =	vld [tilespmem:s18+$0x0];
	[tilespmem:s15+$0x0 ss:$0x81] =	vst.msk $0xffff, v1  }
0x37: {  	s15 =	sshra.s32 s19, $0x2;
	v1 =	vld [tilespmem:s18+$0xFFFFFFE0]  }
0x38: {  	s15 =	sadd.s32 s15, s16  }
0x39: {  	s18 =	sadd.s32 $0x40, s18;
	[tilespmem:s15+$0x1830 ss:$0x81] =	vst.msk $0xffff, v3  }
.Ltmp4:
0x3a: {  	_ = 	snop;
	(pc) =	sbr.rel .LBB1_4-.Ltmp4, $1  }
0x3b: {  	_ =	sdelay $0x3  }
.LBB1_6:
0x3c: {  	_ =	sfence.sel $0x180000  }
0x3d: {  	s2 =	simm.s32 $0x1;
	[bflag:$0x0] =	sbarrier.arrive $0xFFFF  }
0x3e: {  	s31 =	simm.s32 $0x2;
	[sflag:s2] =	ssyncpa.u1 $0x1  }
0x3f: {  	[sflag:s31] =	ssyncpa.u1 $0x1  }
0x40: {  	p0 =	sne.s32 s0, $0x0;
	_ =	strace $0x9000004A  }
0x41: {  	s0 =	sadd.s32 @!p0 $0x100000, s1;
	[bflag:$0x2] =	sbarrier.arrive $0xFFFF  }
0x42: {  	[sflag:s0] =	ssyncadd.tile.s32 @!p0 $0x1;
	_ =	shalt  }
.Lfunc_end1:
_tile_overlayer_lowered:
.L_overlay_start_2:
0x43: {  	(tag) =	ssettag $0x2  }
0x44: {  	s0 =	rddreg [dreg:$0x0];
	s2 =	stileid.u32  }
0x45: {  	s1 =	rddreg [dreg:$0x1];
	p0 =	sne.s32 s2, $0x0  }
0x46: {  	s3 =	rddreg [dreg:$0x2];
	[bflag:$0x3] =	sbarrier.arrive $0xFFFF;
	s2 =	simm.s32 @!p0 $0x1C01  }
0x47: {  	[timem:s3], [sflag:s2] =	dma.local @!p0 [hbm:s0], s1  }
0x48: {  	s0 =	simm.s32 @!p0 $0x1  }
0x49: {  	_ =	swait.ge @!p0 [sflag:s0], s1  }
0x4a: {  	s1 =	ssub.s32 @!p0 $0x0, s1;
	[sflag:s0] =	ssyncset.done @!p0 $0x0  }
0x4b: {  	[sflag:s0] =	ssyncadd.s32 @!p0 s1  }
0x4c: {  	[bflag:$0x3] =	sbarrier.arrive $0xFFFF  }
0x4d: {  	_ =	shalt  }

</sc_bundles>
